<compile_context>
chip_gen: v7x
topology: tpu7x:2x2x1
jax: 0.10.2.dev20260603
libtpu: 0.0.44.dev20260713+nightly
codegen_flags: <defaults>
</compile_context>

<pallas_src>
import functools

import jax
import jax.numpy as jnp
from jax import lax
from jax.experimental import pallas as pl
from jax.experimental.pallas import tpu as pltpu
from jax.experimental.pallas import tpu_sc as plsc

N = 10000
E = 320000
F_IN = 128
HID = 64
NCLS = 40

NC = 2
NS = 16
NW = NC * NS
N_PAD = 10240
CH = 128
PER_W = 10112
E_PAD = PER_W * NW
NB = PER_W // CH
NCLS_P = 48
ROWS_PER_TILE = N_PAD // NS


def _wid():
    return lax.axis_index("s") * NC + lax.axis_index("c")


def _sc_degree(dst_hbm, out_hbm, idx_v, deg_v, sem):
    cid = lax.axis_index("c")
    sid = lax.axis_index("s")
    wid = sid * NC + cid

    def zero_body(i, _):
        deg_v[pl.ds(i * 16, 16)] = jnp.zeros((16,), jnp.float32)
        return 0
    lax.fori_loop(0, N_PAD // 16, zero_body, 0)

    pltpu.sync_copy(dst_hbm.at[pl.ds(wid * PER_W, PER_W)], idx_v)

    ones = jnp.ones((16,), jnp.float32)

    def count_body(i, _):
        idx = idx_v[pl.ds(i * 16, 16)]
        plsc.addupdate_scatter(deg_v, [idx], ones)
        return 0
    lax.fori_loop(0, PER_W // 16, count_body, 0)

    pltpu.sync_copy(deg_v, out_hbm.at[wid])


def _sc_scatter(D, src_hbm, dst_hbm, y_hbm, out_hbm, idx_s, idx_d,
                rows0, rows1, zbuf, acc_sh, sem0, sem1, semi):
    cid = lax.axis_index("c")
    sid = lax.axis_index("s")
    wid = sid * NC + cid

    cps = pltpu.async_copy(src_hbm.at[wid], idx_s, semi)
    cpd = pltpu.async_copy(dst_hbm.at[wid], idx_d, semi)

    def zero_zb(i, _):
        r = i // (D // 16)
        c = i % (D // 16)
        zbuf[r, pl.ds(c * 16, 16)] = jnp.zeros((16,), jnp.float32)
        return 0
    lax.fori_loop(0, CH * D // 16, zero_zb, 0)

    def zero_acc(i, _):
        pltpu.sync_copy(
            zbuf, acc_sh.at[pl.ds(sid * ROWS_PER_TILE + i * CH, CH), :])
        return 0
    lax.fori_loop(0, ROWS_PER_TILE // CH, zero_acc, 0)

    cps.wait()
    cpd.wait()
    plsc.subcore_barrier()

    def gather(j, buf, sem):
        pltpu.async_copy(y_hbm.at[idx_s.at[j]], buf, sem)

    def gwait(buf, sem):
        pltpu.make_async_copy(y_hbm.at[idx_s.at[0]], buf, sem).wait()

    def scat(j, buf):
        pltpu.sync_copy(buf, acc_sh.at[idx_d.at[j]], add=True)

    gather(0, rows0, sem0)

    def pair_body(jj, _):
        c0 = 2 * jj
        gather(c0 + 1, rows1, sem1)
        gwait(rows0, sem0)
        scat(c0, rows0)

        @pl.when(c0 + 2 < NB)
        def _():
            gather(c0 + 2, rows0, sem0)
        gwait(rows1, sem1)
        scat(c0 + 1, rows1)
        return 0
    lax.fori_loop(0, NB // 2, pair_body, 0)

    gwait(rows0, sem0)
    scat(NB - 1, rows0)

    plsc.subcore_barrier()
    pltpu.sync_copy(
        acc_sh.at[pl.ds(sid * ROWS_PER_TILE, ROWS_PER_TILE), :],
        out_hbm.at[cid, pl.ds(sid * ROWS_PER_TILE, ROWS_PER_TILE), :],
    )


@functools.cache
def _sc_mesh():
    return plsc.VectorSubcoreMesh(
        core_axis_name="c", subcore_axis_name="s",
        num_cores=NC, num_subcores=NS)


@functools.cache
def _deg_kernel():
    return pl.kernel(
        _sc_degree,
        out_type=jax.ShapeDtypeStruct((NW, N_PAD), jnp.float32),
        mesh=_sc_mesh(),
        compiler_params=pltpu.CompilerParams(
            needs_layout_passes=False, use_tc_tiling_on_sc=False),
        scratch_types=[
            pltpu.VMEM((PER_W,), jnp.int32),
            pltpu.VMEM((N_PAD,), jnp.float32),
            pltpu.SemaphoreType.DMA,
        ],
    )


@functools.cache
def _scatter_kernel(D):
    return pl.kernel(
        functools.partial(_sc_scatter, D),
        out_type=jax.ShapeDtypeStruct((NC, N_PAD, D), jnp.float32),
        mesh=_sc_mesh(),
        compiler_params=pltpu.CompilerParams(
            needs_layout_passes=False, use_tc_tiling_on_sc=False),
        scratch_types=(
            [pltpu.VMEM((NB, CH), jnp.int32)] * 2
            + [pltpu.VMEM((CH, D), jnp.float32)] * 3
            + [pltpu.VMEM_SHARED((N_PAD, D), jnp.float32)]
            + [pltpu.SemaphoreType.DMA] * 3
        ),
    )



_BLK = 2048
_GRID = N_PAD // _BLK


def _tc1_body(dp_ref, x_ref, w1_ref, y1_ref, dinv_ref):
    deg = jnp.sum(dp_ref[...], axis=0) + 1.0
    dinv = lax.rsqrt(deg)
    dinv_ref[...] = dinv
    xw = jnp.dot(x_ref[...], w1_ref[...], preferred_element_type=jnp.float32)
    y1_ref[...] = xw * dinv[:, None]


def _tc2_body(a_ref, y1_ref, dinv_ref, w2_ref, b1_ref, y2_ref):
    dinv = dinv_ref[...]
    pre = (a_ref[0] + a_ref[1] + y1_ref[...]) * dinv[:, None]
    h = jnp.maximum(pre + b1_ref[...], 0.0)
    hw = jnp.dot(h, w2_ref[...], preferred_element_type=jnp.float32)
    y2_ref[...] = hw * dinv[:, None]


def _tc3_body(a_ref, y2_ref, dinv_ref, b2_ref, out_ref):
    dinv = dinv_ref[...]
    o = (a_ref[0] + a_ref[1] + y2_ref[...]) * dinv[:, None] + b2_ref[...]
    col = lax.broadcasted_iota(jnp.int32, o.shape, 1)
    neg = jnp.float32(-1e30)
    om = jnp.where(col < NCLS, o, neg)
    m = jnp.max(om, axis=1, keepdims=True)
    s = jnp.log(jnp.sum(jnp.exp(om - m), axis=1, keepdims=True))
    out_ref[...] = om - m - s


def _row_spec(width=None):
    if width is None:
        return pl.BlockSpec((_BLK,), lambda i: (i,))
    return pl.BlockSpec((_BLK, width), lambda i: (i, 0))


def _full_spec(shape):
    return pl.BlockSpec(shape, lambda i: tuple(0 for _ in shape))


_tc1 = pl.pallas_call(
    _tc1_body,
    grid=(_GRID,),
    in_specs=[
        pl.BlockSpec((NW, _BLK), lambda i: (0, i)),
        _row_spec(F_IN),
        _full_spec((F_IN, HID)),
    ],
    out_specs=[_row_spec(HID), _row_spec()],
    out_shape=[
        jax.ShapeDtypeStruct((N_PAD, HID), jnp.float32),
        jax.ShapeDtypeStruct((N_PAD,), jnp.float32),
    ],
)

_tc2 = pl.pallas_call(
    _tc2_body,
    grid=(_GRID,),
    in_specs=[
        pl.BlockSpec((NC, _BLK, HID), lambda i: (0, i, 0)),
        _row_spec(HID), _row_spec(),
        _full_spec((HID, NCLS_P)),
        _full_spec((1, HID)),
    ],
    out_specs=[_row_spec(NCLS_P)],
    out_shape=[jax.ShapeDtypeStruct((N_PAD, NCLS_P), jnp.float32)],
)

_tc3 = pl.pallas_call(
    _tc3_body,
    grid=(_GRID,),
    in_specs=[
        pl.BlockSpec((NC, _BLK, NCLS_P), lambda i: (0, i, 0)),
        _row_spec(NCLS_P), _row_spec(),
        _full_spec((1, NCLS_P)),
    ],
    out_specs=[_row_spec(NCLS_P)],
    out_shape=[jax.ShapeDtypeStruct((N_PAD, NCLS_P), jnp.float32)],
)


@jax.jit
def kernel(x, edge_index, W1, b1, W2, b2):
    src = edge_index[0]
    dst = edge_index[1]
    pad = E_PAD - E
    src_p = jnp.concatenate([src, jnp.zeros((pad,), jnp.int32)])
    dst_p = jnp.concatenate([dst, jnp.full((pad,), N, jnp.int32)])
    src3 = src_p.reshape(NW, NB, CH)
    dst3 = dst_p.reshape(NW, NB, CH)

    x_p = jnp.zeros((N_PAD, F_IN), jnp.float32).at[:N].set(x)
    w2_p = jnp.zeros((HID, NCLS_P), jnp.float32).at[:, :NCLS].set(W2)
    b1_p = jnp.reshape(b1, (1, HID))
    b2_p = jnp.zeros((1, NCLS_P), jnp.float32).at[0, :NCLS].set(b2)

    degp = _deg_kernel()(dst_p)
    y1, dinv = _tc1(degp, x_p, W1)

    acc1 = _scatter_kernel(HID)(src3, dst3, y1)
    (y2,) = _tc2(acc1, y1, dinv, w2_p, b1_p)

    acc2 = _scatter_kernel(NCLS_P)(src3, dst3, y2)
    (out,) = _tc3(acc2, y2, dinv, b2_p)

    return out[:N, :NCLS]

# --- scband reference (transcript-rebuilt; emitter-appended) ---
"""Pipeline reference for scband-net-28140625723913 (READ-ONLY COPY).

The authoritative reference and input builder live on the scoring server;
editing this copy changes nothing except your own understanding.
"""

import jax, jax.numpy as jnp
import numpy as np

N = 10000
E = 320000
F_IN = 128
HID = 64
NCLS = 40


def setup_inputs(seed: int = 0) -> dict:
    key = jax.random.key(seed)
    k1, k2, k3, k4 = jax.random.split(key, 4)
    x = jax.random.normal(k1, (N, F_IN), dtype=jnp.float32)
    edge_index = jax.random.randint(k2, (2, E), 0, N, dtype=jnp.int32)
    # GCNConv glorot-style weights + zero bias
    W1 = jax.random.normal(k3, (F_IN, HID), dtype=jnp.float32) * (1.0 / np.sqrt(F_IN))
    b1 = jnp.zeros((HID,), dtype=jnp.float32)
    W2 = jax.random.normal(k4, (HID, NCLS), dtype=jnp.float32) * (1.0 / np.sqrt(HID))
    b2 = jnp.zeros((NCLS,), dtype=jnp.float32)
    return {"x": x, "edge_index": edge_index, "W1": W1, "b1": b1, "W2": W2, "b2": b2}


def _gcn_layer(x, src, dst, W, b):
    # x' = D^{-1/2} (A + I) D^{-1/2} X W + b  (self-loops already appended to src/dst)
    xw = x @ W
    deg = jnp.zeros((N,), dtype=xw.dtype).at[dst].add(1.0)
    dinv = jnp.where(deg > 0, 1.0 / jnp.sqrt(deg), 0.0)
    norm = dinv[src] * dinv[dst]
    msg = xw[src] * norm[:, None]
    out = jnp.zeros((N, W.shape[1]), dtype=xw.dtype).at[dst].add(msg)
    return out + b


def reference(x, edge_index, W1, b1, W2, b2):
    loop = jnp.arange(N, dtype=edge_index.dtype)
    src = jnp.concatenate([edge_index[0], loop])
    dst = jnp.concatenate([edge_index[1], loop])
    h = jax.nn.relu(_gcn_layer(x, src, dst, W1, b1))
    h = _gcn_layer(h, src, dst, W2, b2)
    return jax.nn.log_softmax(h, axis=1)

if __name__ == "__main__":
    import jax
    _d = setup_inputs()
    print(jax.jit(kernel)(*tuple(_d.values())))

</pallas_src>

<mosaic_0001>
#map = affine_map<(d0, d1) -> (0, 0, 0)>
#map1 = affine_map<(d0, d1) -> (0, 0)>
module attributes {stable_mosaic.version = 14 : i64} {
  func.func @_sc_scatter(%arg0: i32, %arg1: i32, %arg2: memref<32x79x128xi32, #tpu.memory_space<hbm>>, %arg3: memref<32x79x128xi32, #tpu.memory_space<hbm>>, %arg4: memref<10240x48xf32, #tpu.memory_space<hbm>>, %arg5: memref<2x10240x48xf32, #tpu.memory_space<hbm>>, %arg6: memref<79x128xi32, #tpu.memory_space<vmem>>, %arg7: memref<79x128xi32, #tpu.memory_space<vmem>>, %arg8: memref<128x48xf32, #tpu.memory_space<vmem>>, %arg9: memref<128x48xf32, #tpu.memory_space<vmem>>, %arg10: memref<128x48xf32, #tpu.memory_space<vmem>>, %arg11: memref<10240x48xf32, #tpu.memory_space<vmem_shared>>, %arg12: memref<!tpu.dma_semaphore, #tpu.memory_space<semaphore_mem>>, %arg13: memref<!tpu.dma_semaphore, #tpu.memory_space<semaphore_mem>>, %arg14: memref<!tpu.dma_semaphore, #tpu.memory_space<semaphore_mem>>) attributes {dimension_semantics = [#tpu.dimension_semantics<core_parallel>, #tpu.dimension_semantics<subcore_parallel>], iteration_bounds = array<i64: 2, 16>, scalar_prefetch = 0 : i64, scratch_operands = 9 : i64, tpu.core_type = #tpu.core_type<sc_vector_subcore>, window_params = [{transform_indices = #map}, {transform_indices = #map}, {transform_indices = #map1}, {transform_indices = #map}]} {
    %mul3A = arith.constant 2 : i32
    %mul3A_0 = arith.muli %arg1, %mul3A : i32
    %add3A = arith.addi %mul3A_0, %arg0 : i32
    %dma_start3A = arith.constant 0 : i32
    %dma_start3A_1 = arith.constant 0 : i32
    %dma_start3A_2 = tpu.memref_slice %arg2[%add3A, %dma_start3A, %dma_start3A_1] : memref<32x79x128xi32, #tpu.memory_space<hbm>> -> memref<1x79x128xi32, #tpu.memory_space<hbm>>
    %dma_start3A_3 = tpu.memref_squeeze %dma_start3A_2 : memref<1x79x128xi32, #tpu.memory_space<hbm>> -> memref<79x128xi32, #tpu.memory_space<hbm>>
    %dma_start3A_4 = arith.constant 0 : i32
    %dma_start3A_5 = arith.constant 0 : i32
    %dma_start3A_6 = tpu.memref_slice %arg2[%add3A, %dma_start3A_4, %dma_start3A_5] : memref<32x79x128xi32, #tpu.memory_space<hbm>> -> memref<1x79x128xi32, #tpu.memory_space<hbm>>
    %dma_start3A_7 = tpu.memref_squeeze %dma_start3A_6 : memref<1x79x128xi32, #tpu.memory_space<hbm>> -> memref<79x128xi32, #tpu.memory_space<hbm>>
    tpu.enqueue_dma source(%dma_start3A_7 : memref<79x128xi32, #tpu.memory_space<hbm>>) target(%arg6 : memref<79x128xi32, #tpu.memory_space<vmem>>) target_semaphore(%arg14 : memref<!tpu.dma_semaphore, #tpu.memory_space<semaphore_mem>>)
    %dma_start3A_8 = arith.constant 0 : i32
    %dma_start3A_9 = arith.constant 0 : i32
    %dma_start3A_10 = tpu.memref_slice %arg3[%add3A, %dma_start3A_8, %dma_start3A_9] : memref<32x79x128xi32, #tpu.memory_space<hbm>> -> memref<1x79x128xi32, #tpu.memory_space<hbm>>
    %dma_start3A_11 = tpu.memref_squeeze %dma_start3A_10 : memref<1x79x128xi32, #tpu.memory_space<hbm>> -> memref<79x128xi32, #tpu.memory_space<hbm>>
    %dma_start3A_12 = arith.constant 0 : i32
    %dma_start3A_13 = arith.constant 0 : i32
    %dma_start3A_14 = tpu.memref_slice %arg3[%add3A, %dma_start3A_12, %dma_start3A_13] : memref<32x79x128xi32, #tpu.memory_space<hbm>> -> memref<1x79x128xi32, #tpu.memory_space<hbm>>
    %dma_start3A_15 = tpu.memref_squeeze %dma_start3A_14 : memref<1x79x128xi32, #tpu.memory_space<hbm>> -> memref<79x128xi32, #tpu.memory_space<hbm>>
    tpu.enqueue_dma source(%dma_start3A_15 : memref<79x128xi32, #tpu.memory_space<hbm>>) target(%arg7 : memref<79x128xi32, #tpu.memory_space<vmem>>) target_semaphore(%arg14 : memref<!tpu.dma_semaphore, #tpu.memory_space<semaphore_mem>>)
    %scan3A = arith.constant 0 : i32
    %scan3A_16 = arith.constant 0 : i32
    %scan3A_17 = arith.constant 384 : i32
    %scan3A_18 = arith.addi %scan3A_16, %scan3A_17 : i32
    %scan3A_19 = arith.constant 1 : i32
    %scan3A_20 = scf.for %scan3A_70 = %scan3A_16 to %scan3A_18 step %scan3A_19 iter_args(%scan3A_71 = %scan3A) -> (i32)  : i32 {
      %jit3A = arith.constant 3 : i32
      %div3A = arith.divsi %scan3A_70, %jit3A : i32
      %sign3A = arith.constant 0 : i32
      %sign3A_72 = arith.cmpi sgt, %scan3A_70, %sign3A : i32
      %sign3A_73 = arith.extui %sign3A_72 : i1 to i32
      %sign3A_74 = arith.constant 0 : i32
      %sign3A_75 = arith.cmpi slt, %scan3A_70, %sign3A_74 : i32
      %sign3A_76 = arith.extui %sign3A_75 : i1 to i32
      %sign3A_77 = arith.subi %sign3A_73, %sign3A_76 : i32
      %sign3A_78 = arith.constant 0 : i32
      %sign3A_79 = arith.cmpi sgt, %jit3A, %sign3A_78 : i32
      %sign3A_80 = arith.extui %sign3A_79 : i1 to i32
      %sign3A_81 = arith.constant 0 : i32
      %sign3A_82 = arith.cmpi slt, %jit3A, %sign3A_81 : i32
      %sign3A_83 = arith.extui %sign3A_82 : i1 to i32
      %sign3A_84 = arith.subi %sign3A_80, %sign3A_83 : i32
      %ne3A = arith.cmpi ne, %sign3A_77, %sign3A_84 : i32
      %rem3A = arith.remsi %scan3A_70, %jit3A : i32
      %ne3A_85 = arith.constant 0 : i32
      %ne3A_86 = arith.cmpi ne, %rem3A, %ne3A_85 : i32
      %and3A = arith.andi %ne3A, %ne3A_86 : i1
      %sub3A = arith.constant 1 : i32
      %sub3A_87 = arith.subi %div3A, %sub3A : i32
      %select_n3A = arith.select %and3A, %sub3A_87, %div3A : i32
      %jit3A_88 = arith.constant 3 : i32
      %eq3A = arith.constant 0 : i32
      %eq3A_89 = arith.cmpi eq, %jit3A_88, %eq3A : i32
      %jit3A_90 = arith.constant 1 : i32
      %select_n3A_91 = arith.select %eq3A_89, %jit3A_90, %jit3A_88 : i32
      %rem3A_92 = arith.remsi %scan3A_70, %select_n3A_91 : i32
      %ne3A_93 = arith.constant 0 : i32
      %ne3A_94 = arith.cmpi ne, %rem3A_92, %ne3A_93 : i32
      %lt3A = arith.constant 0 : i32
      %lt3A_95 = arith.cmpi slt, %rem3A_92, %lt3A : i32
      %lt3A_96 = arith.constant 0 : i32
      %lt3A_97 = arith.cmpi slt, %select_n3A_91, %lt3A_96 : i32
      %ne3A_98 = arith.xori %lt3A_95, %lt3A_97 : i1
      %and3A_99 = arith.andi %ne3A_98, %ne3A_94 : i1
      %add3A_100 = arith.addi %rem3A_92, %select_n3A_91 : i32
      %select_n3A_101 = arith.select %and3A_99, %add3A_100, %rem3A_92 : i32
      %broadcast_in_dim3A = arith.constant 0.000000e+00 : f32
      %broadcast_in_dim3A_102 = vector.broadcast %broadcast_in_dim3A : f32 to vector<16xf32>
      %mul3A_103 = arith.constant 16 : i32
      %mul3A_104 = arith.muli %select_n3A_101, %mul3A_103 : i32
      %swap3A = arith.index_cast %select_n3A : i32 to index
      %swap3A_105 = arith.index_cast %mul3A_104 : i32 to index
      %swap3A_106 = tpu.vector_load %arg10[%swap3A, %swap3A_105] {strides = array<i32>} : memref<128x48xf32, #tpu.memory_space<vmem>>, vector<16xf32>,
      tpu.vector_store %arg10[%swap3A, %swap3A_105], %broadcast_in_dim3A_102 {strides = array<i32>} : memref<128x48xf32, #tpu.memory_space<vmem>>, vector<16xf32>,
      %scan3A_107 = arith.constant 0 : i32
      scf.yield %scan3A_107 : i32
    }
    %scan3A_21 = arith.constant 384 : i32
    %scan3A_22 = arith.constant 0 : i32
    %scan3A_23 = arith.constant 0 : i32
    %scan3A_24 = arith.constant 5 : i32
    %scan3A_25 = arith.addi %scan3A_23, %scan3A_24 : i32
    %scan3A_26 = arith.constant 1 : i32
    %scan3A_27 = scf.for %scan3A_70 = %scan3A_23 to %scan3A_25 step %scan3A_26 iter_args(%scan3A_71 = %scan3A_22) -> (i32)  : i32 {
      %mul3A_72 = arith.constant 640 : i32
      %mul3A_73 = arith.muli %arg1, %mul3A_72 : i32
      %mul3A_74 = arith.constant 128 : i32
      %mul3A_75 = arith.muli %scan3A_70, %mul3A_74 : i32
      %add3A_76 = arith.addi %mul3A_73, %mul3A_75 : i32
      "tpu.region"() ({
        %run_scoped3A_78 = tpu.sem_alloc : memref<!tpu.dma_semaphore, #tpu.memory_space<semaphore_mem>>
        %dma_start3A_79 = arith.constant 0 : i32
        %dma_start3A_80 = tpu.memref_slice %arg11[%add3A_76, %dma_start3A_79] : memref<10240x48xf32, #tpu.memory_space<vmem_shared>> -> memref<128x48xf32, #tpu.memory_space<vmem_shared>>
        %dma_start3A_81 = arith.constant 0 : i32
        %dma_start3A_82 = tpu.memref_slice %arg11[%add3A_76, %dma_start3A_81] : memref<10240x48xf32, #tpu.memory_space<vmem_shared>> -> memref<128x48xf32, #tpu.memory_space<vmem_shared>>
        tpu.enqueue_dma source(%arg10 : memref<128x48xf32, #tpu.memory_space<vmem>>) target(%dma_start3A_82 : memref<128x48xf32, #tpu.memory_space<vmem_shared>>) target_semaphore(%run_scoped3A_78 : memref<!tpu.dma_semaphore, #tpu.memory_space<semaphore_mem>>)
        %dma_wait3A_83 = arith.constant 0 : i32
        %dma_wait3A_84 = tpu.memref_slice %arg11[%add3A_76, %dma_wait3A_83] : memref<10240x48xf32, #tpu.memory_space<vmem_shared>> -> memref<128x48xf32, #tpu.memory_space<vmem_shared>>
        %dma_wait3A_85 = arith.constant 0 : i32
        %dma_wait3A_86 = tpu.memref_slice %arg11[%add3A_76, %dma_wait3A_85] : memref<10240x48xf32, #tpu.memory_space<vmem_shared>> -> memref<128x48xf32, #tpu.memory_space<vmem_shared>>
        tpu.wait_dma2 semaphore(%run_scoped3A_78 : memref<!tpu.dma_semaphore, #tpu.memory_space<semaphore_mem>>) src(%arg10 : memref<128x48xf32, #tpu.memory_space<vmem>>) dst(%dma_wait3A_86 : memref<128x48xf32, #tpu.memory_space<vmem_shared>>)
        tpu.yield
      }) : () -> ()
      %scan3A_77 = arith.constant 0 : i32
      scf.yield %scan3A_77 : i32
    }
    %scan3A_28 = arith.constant 5 : i32
    %dma_wait3A = arith.constant 0 : i32
    %dma_wait3A_29 = arith.constant 0 : i32
    %dma_wait3A_30 = tpu.memref_slice %arg2[%add3A, %dma_wait3A, %dma_wait3A_29] : memref<32x79x128xi32, #tpu.memory_space<hbm>> -> memref<1x79x128xi32, #tpu.memory_space<hbm>>
    %dma_wait3A_31 = tpu.memref_squeeze %dma_wait3A_30 : memref<1x79x128xi32, #tpu.memory_space<hbm>> -> memref<79x128xi32, #tpu.memory_space<hbm>>
    %dma_wait3A_32 = arith.constant 0 : i32
    %dma_wait3A_33 = arith.constant 0 : i32
    %dma_wait3A_34 = tpu.memref_slice %arg2[%add3A, %dma_wait3A_32, %dma_wait3A_33] : memref<32x79x128xi32, #tpu.memory_space<hbm>> -> memref<1x79x128xi32, #tpu.memory_space<hbm>>
    %dma_wait3A_35 = tpu.memref_squeeze %dma_wait3A_34 : memref<1x79x128xi32, #tpu.memory_space<hbm>> -> memref<79x128xi32, #tpu.memory_space<hbm>>
    tpu.wait_dma2 semaphore(%arg14 : memref<!tpu.dma_semaphore, #tpu.memory_space<semaphore_mem>>) src(%dma_wait3A_35 : memref<79x128xi32, #tpu.memory_space<hbm>>) dst(%arg6 : memref<79x128xi32, #tpu.memory_space<vmem>>)
    %dma_wait3A_36 = arith.constant 0 : i32
    %dma_wait3A_37 = arith.constant 0 : i32
    %dma_wait3A_38 = tpu.memref_slice %arg3[%add3A, %dma_wait3A_36, %dma_wait3A_37] : memref<32x79x128xi32, #tpu.memory_space<hbm>> -> memref<1x79x128xi32, #tpu.memory_space<hbm>>
    %dma_wait3A_39 = tpu.memref_squeeze %dma_wait3A_38 : memref<1x79x128xi32, #tpu.memory_space<hbm>> -> memref<79x128xi32, #tpu.memory_space<hbm>>
    %dma_wait3A_40 = arith.constant 0 : i32
    %dma_wait3A_41 = arith.constant 0 : i32
    %dma_wait3A_42 = tpu.memref_slice %arg3[%add3A, %dma_wait3A_40, %dma_wait3A_41] : memref<32x79x128xi32, #tpu.memory_space<hbm>> -> memref<1x79x128xi32, #tpu.memory_space<hbm>>
    %dma_wait3A_43 = tpu.memref_squeeze %dma_wait3A_42 : memref<1x79x128xi32, #tpu.memory_space<hbm>> -> memref<79x128xi32, #tpu.memory_space<hbm>>
    tpu.wait_dma2 semaphore(%arg14 : memref<!tpu.dma_semaphore, #tpu.memory_space<semaphore_mem>>) src(%dma_wait3A_43 : memref<79x128xi32, #tpu.memory_space<hbm>>) dst(%arg7 : memref<79x128xi32, #tpu.memory_space<vmem>>)
    %barrier3A = arith.constant 0 : index
    tpu.barrier barrier_id(%barrier3A)
    %dma_start3A_44 = arith.constant 0 : i32
    %dma_start3A_45 = arith.constant 0 : i32
    %dma_start3A_46 = tpu.memref_slice %arg6[%dma_start3A_44, %dma_start3A_45] : memref<79x128xi32, #tpu.memory_space<vmem>> -> memref<1x128xi32, #tpu.memory_space<vmem>>
    %dma_start3A_47 = tpu.memref_squeeze %dma_start3A_46 : memref<1x128xi32, #tpu.memory_space<vmem>> -> memref<128xi32, #tpu.memory_space<vmem>>
    %dma_start3A_48 = arith.constant 0 : i32
    %dma_start3A_49 = arith.constant 0 : i32
    %dma_start3A_50 = tpu.memref_slice %arg4[%dma_start3A_48, %dma_start3A_49] : memref<10240x48xf32, #tpu.memory_space<hbm>> -> memref<10240x48xf32, #tpu.memory_space<hbm>>
    tpu.enqueue_indirect_dma source(%dma_start3A_50 : memref<10240x48xf32, #tpu.memory_space<hbm>>) target(%arg8 : memref<128x48xf32, #tpu.memory_space<vmem>>) offsets(%dma_start3A_47 : memref<128xi32, #tpu.memory_space<vmem>>) semaphore(%arg12 : memref<!tpu.dma_semaphore, #tpu.memory_space<semaphore_mem>>)
    %scan3A_51 = arith.constant 0 : i32
    %scan3A_52 = arith.constant 0 : i32
    %scan3A_53 = arith.constant 39 : i32
    %scan3A_54 = arith.addi %scan3A_52, %scan3A_53 : i32
    %scan3A_55 = arith.constant 1 : i32
    %scan3A_56 = scf.for %scan3A_70 = %scan3A_52 to %scan3A_54 step %scan3A_55 iter_args(%scan3A_71 = %scan3A_51) -> (i32)  : i32 {
      %mul3A_72 = arith.constant 2 : i32
      %mul3A_73 = arith.muli %mul3A_72, %scan3A_70 : i32
      %add3A_74 = arith.constant 1 : i32
      %add3A_75 = arith.addi %mul3A_73, %add3A_74 : i32
      %dma_start3A_76 = arith.constant 0 : i32
      %dma_start3A_77 = tpu.memref_slice %arg6[%add3A_75, %dma_start3A_76] : memref<79x128xi32, #tpu.memory_space<vmem>> -> memref<1x128xi32, #tpu.memory_space<vmem>>
      %dma_start3A_78 = tpu.memref_squeeze %dma_start3A_77 : memref<1x128xi32, #tpu.memory_space<vmem>> -> memref<128xi32, #tpu.memory_space<vmem>>
      %dma_start3A_79 = arith.constant 0 : i32
      %dma_start3A_80 = arith.constant 0 : i32
      %dma_start3A_81 = tpu.memref_slice %arg4[%dma_start3A_79, %dma_start3A_80] : memref<10240x48xf32, #tpu.memory_space<hbm>> -> memref<10240x48xf32, #tpu.memory_space<hbm>>
      tpu.enqueue_indirect_dma source(%dma_start3A_81 : memref<10240x48xf32, #tpu.memory_space<hbm>>) target(%arg9 : memref<128x48xf32, #tpu.memory_space<vmem>>) offsets(%dma_start3A_78 : memref<128xi32, #tpu.memory_space<vmem>>) semaphore(%arg13 : memref<!tpu.dma_semaphore, #tpu.memory_space<semaphore_mem>>)
      %dma_wait3A_82 = arith.constant 0 : i32
      %dma_wait3A_83 = arith.constant 0 : i32
      %dma_wait3A_84 = tpu.memref_slice %arg6[%dma_wait3A_82, %dma_wait3A_83] : memref<79x128xi32, #tpu.memory_space<vmem>> -> memref<1x128xi32, #tpu.memory_space<vmem>>
      %dma_wait3A_85 = tpu.memref_squeeze %dma_wait3A_84 : memref<1x128xi32, #tpu.memory_space<vmem>> -> memref<128xi32, #tpu.memory_space<vmem>>
      %dma_wait3A_86 = arith.constant 0 : i32
      %dma_wait3A_87 = arith.constant 0 : i32
      %dma_wait3A_88 = tpu.memref_slice %arg4[%dma_wait3A_86, %dma_wait3A_87] : memref<10240x48xf32, #tpu.memory_space<hbm>> -> memref<10240x48xf32, #tpu.memory_space<hbm>>
      tpu.wait_indirect_dma semaphore(%arg12 : memref<!tpu.dma_semaphore, #tpu.memory_space<semaphore_mem>>) src(%dma_wait3A_88 : memref<10240x48xf32, #tpu.memory_space<hbm>>) dst(%arg8 : memref<128x48xf32, #tpu.memory_space<vmem>>)
      "tpu.region"() ({
        %run_scoped3A_103 = tpu.sem_alloc : memref<!tpu.dma_semaphore, #tpu.memory_space<semaphore_mem>>
        %dma_start3A_104 = arith.constant 0 : i32
        %dma_start3A_105 = tpu.memref_slice %arg7[%mul3A_73, %dma_start3A_104] : memref<79x128xi32, #tpu.memory_space<vmem>> -> memref<1x128xi32, #tpu.memory_space<vmem>>
        %dma_start3A_106 = tpu.memref_squeeze %dma_start3A_105 : memref<1x128xi32, #tpu.memory_space<vmem>> -> memref<128xi32, #tpu.memory_space<vmem>>
        %dma_start3A_107 = arith.constant 0 : i32
        %dma_start3A_108 = arith.constant 0 : i32
        %dma_start3A_109 = tpu.memref_slice %arg11[%dma_start3A_107, %dma_start3A_108] : memref<10240x48xf32, #tpu.memory_space<vmem_shared>> -> memref<10240x48xf32, #tpu.memory_space<vmem_shared>>
        tpu.enqueue_indirect_dma source(%arg8 : memref<128x48xf32, #tpu.memory_space<vmem>>) target(%dma_start3A_109 : memref<10240x48xf32, #tpu.memory_space<vmem_shared>>) offsets(%dma_start3A_106 : memref<128xi32, #tpu.memory_space<vmem>>) semaphore(%run_scoped3A_103 : memref<!tpu.dma_semaphore, #tpu.memory_space<semaphore_mem>>) {add = true}
        %dma_wait3A_110 = arith.constant 0 : i32
        %dma_wait3A_111 = tpu.memref_slice %arg7[%mul3A_73, %dma_wait3A_110] : memref<79x128xi32, #tpu.memory_space<vmem>> -> memref<1x128xi32, #tpu.memory_space<vmem>>
        %dma_wait3A_112 = tpu.memref_squeeze %dma_wait3A_111 : memref<1x128xi32, #tpu.memory_space<vmem>> -> memref<128xi32, #tpu.memory_space<vmem>>
        %dma_wait3A_113 = arith.constant 0 : i32
        %dma_wait3A_114 = arith.constant 0 : i32
        %dma_wait3A_115 = tpu.memref_slice %arg11[%dma_wait3A_113, %dma_wait3A_114] : memref<10240x48xf32, #tpu.memory_space<vmem_shared>> -> memref<10240x48xf32, #tpu.memory_space<vmem_shared>>
        tpu.wait_indirect_dma semaphore(%run_scoped3A_103 : memref<!tpu.dma_semaphore, #tpu.memory_space<semaphore_mem>>) src(%arg8 : memref<128x48xf32, #tpu.memory_space<vmem>>) dst(%dma_wait3A_115 : memref<10240x48xf32, #tpu.memory_space<vmem_shared>>)
        tpu.yield
      }) : () -> ()
      %add3A_89 = arith.constant 2 : i32
      %add3A_90 = arith.addi %mul3A_73, %add3A_89 : i32
      %lt3A = arith.constant 79 : i32
      %lt3A_91 = arith.cmpi slt, %add3A_90, %lt3A : i32
      %convert_element_type3A = arith.extui %lt3A_91 : i1 to i32
      %cond3A = arith.constant 0 : i32
      %cond3A_92 = arith.cmpi ne, %convert_element_type3A, %cond3A : i32
      scf.if %cond3A_92 {
        %add3A_103 = arith.constant 2 : i32
        %add3A_104 = arith.addi %mul3A_73, %add3A_103 : i32
        %dma_start3A_105 = arith.constant 0 : i32
        %dma_start3A_106 = tpu.memref_slice %arg6[%add3A_104, %dma_start3A_105] : memref<79x128xi32, #tpu.memory_space<vmem>> -> memref<1x128xi32, #tpu.memory_space<vmem>>
        %dma_start3A_107 = tpu.memref_squeeze %dma_start3A_106 : memref<1x128xi32, #tpu.memory_space<vmem>> -> memref<128xi32, #tpu.memory_space<vmem>>
        %dma_start3A_108 = arith.constant 0 : i32
        %dma_start3A_109 = arith.constant 0 : i32
        %dma_start3A_110 = tpu.memref_slice %arg4[%dma_start3A_108, %dma_start3A_109] : memref<10240x48xf32, #tpu.memory_space<hbm>> -> memref<10240x48xf32, #tpu.memory_space<hbm>>
        tpu.enqueue_indirect_dma source(%dma_start3A_110 : memref<10240x48xf32, #tpu.memory_space<hbm>>) target(%arg8 : memref<128x48xf32, #tpu.memory_space<vmem>>) offsets(%dma_start3A_107 : memref<128xi32, #tpu.memory_space<vmem>>) semaphore(%arg12 : memref<!tpu.dma_semaphore, #tpu.memory_space<semaphore_mem>>)
      } else {
      }
      %dma_wait3A_93 = arith.constant 0 : i32
      %dma_wait3A_94 = arith.constant 0 : i32
      %dma_wait3A_95 = tpu.memref_slice %arg6[%dma_wait3A_93, %dma_wait3A_94] : memref<79x128xi32, #tpu.memory_space<vmem>> -> memref<1x128xi32, #tpu.memory_space<vmem>>
      %dma_wait3A_96 = tpu.memref_squeeze %dma_wait3A_95 : memref<1x128xi32, #tpu.memory_space<vmem>> -> memref<128xi32, #tpu.memory_space<vmem>>
      %dma_wait3A_97 = arith.constant 0 : i32
      %dma_wait3A_98 = arith.constant 0 : i32
      %dma_wait3A_99 = tpu.memref_slice %arg4[%dma_wait3A_97, %dma_wait3A_98] : memref<10240x48xf32, #tpu.memory_space<hbm>> -> memref<10240x48xf32, #tpu.memory_space<hbm>>
      tpu.wait_indirect_dma semaphore(%arg13 : memref<!tpu.dma_semaphore, #tpu.memory_space<semaphore_mem>>) src(%dma_wait3A_99 : memref<10240x48xf32, #tpu.memory_space<hbm>>) dst(%arg9 : memref<128x48xf32, #tpu.memory_space<vmem>>)
      %add3A_100 = arith.constant 1 : i32
      %add3A_101 = arith.addi %mul3A_73, %add3A_100 : i32
      "tpu.region"() ({
        %run_scoped3A_103 = tpu.sem_alloc : memref<!tpu.dma_semaphore, #tpu.memory_space<semaphore_mem>>
        %dma_start3A_104 = arith.constant 0 : i32
        %dma_start3A_105 = tpu.memref_slice %arg7[%add3A_101, %dma_start3A_104] : memref<79x128xi32, #tpu.memory_space<vmem>> -> memref<1x128xi32, #tpu.memory_space<vmem>>
        %dma_start3A_106 = tpu.memref_squeeze %dma_start3A_105 : memref<1x128xi32, #tpu.memory_space<vmem>> -> memref<128xi32, #tpu.memory_space<vmem>>
        %dma_start3A_107 = arith.constant 0 : i32
        %dma_start3A_108 = arith.constant 0 : i32
        %dma_start3A_109 = tpu.memref_slice %arg11[%dma_start3A_107, %dma_start3A_108] : memref<10240x48xf32, #tpu.memory_space<vmem_shared>> -> memref<10240x48xf32, #tpu.memory_space<vmem_shared>>
        tpu.enqueue_indirect_dma source(%arg9 : memref<128x48xf32, #tpu.memory_space<vmem>>) target(%dma_start3A_109 : memref<10240x48xf32, #tpu.memory_space<vmem_shared>>) offsets(%dma_start3A_106 : memref<128xi32, #tpu.memory_space<vmem>>) semaphore(%run_scoped3A_103 : memref<!tpu.dma_semaphore, #tpu.memory_space<semaphore_mem>>) {add = true}
        %dma_wait3A_110 = arith.constant 0 : i32
        %dma_wait3A_111 = tpu.memref_slice %arg7[%add3A_101, %dma_wait3A_110] : memref<79x128xi32, #tpu.memory_space<vmem>> -> memref<1x128xi32, #tpu.memory_space<vmem>>
        %dma_wait3A_112 = tpu.memref_squeeze %dma_wait3A_111 : memref<1x128xi32, #tpu.memory_space<vmem>> -> memref<128xi32, #tpu.memory_space<vmem>>
        %dma_wait3A_113 = arith.constant 0 : i32
        %dma_wait3A_114 = arith.constant 0 : i32
        %dma_wait3A_115 = tpu.memref_slice %arg11[%dma_wait3A_113, %dma_wait3A_114] : memref<10240x48xf32, #tpu.memory_space<vmem_shared>> -> memref<10240x48xf32, #tpu.memory_space<vmem_shared>>
        tpu.wait_indirect_dma semaphore(%run_scoped3A_103 : memref<!tpu.dma_semaphore, #tpu.memory_space<semaphore_mem>>) src(%arg9 : memref<128x48xf32, #tpu.memory_space<vmem>>) dst(%dma_wait3A_115 : memref<10240x48xf32, #tpu.memory_space<vmem_shared>>)
        tpu.yield
      }) : () -> ()
      %scan3A_102 = arith.constant 0 : i32
      scf.yield %scan3A_102 : i32
    }
    %scan3A_57 = arith.constant 39 : i32
    %dma_wait3A_58 = arith.constant 0 : i32
    %dma_wait3A_59 = arith.constant 0 : i32
    %dma_wait3A_60 = tpu.memref_slice %arg6[%dma_wait3A_58, %dma_wait3A_59] : memref<79x128xi32, #tpu.memory_space<vmem>> -> memref<1x128xi32, #tpu.memory_space<vmem>>
    %dma_wait3A_61 = tpu.memref_squeeze %dma_wait3A_60 : memref<1x128xi32, #tpu.memory_space<vmem>> -> memref<128xi32, #tpu.memory_space<vmem>>
    %dma_wait3A_62 = arith.constant 0 : i32
    %dma_wait3A_63 = arith.constant 0 : i32
    %dma_wait3A_64 = tpu.memref_slice %arg4[%dma_wait3A_62, %dma_wait3A_63] : memref<10240x48xf32, #tpu.memory_space<hbm>> -> memref<10240x48xf32, #tpu.memory_space<hbm>>
    tpu.wait_indirect_dma semaphore(%arg12 : memref<!tpu.dma_semaphore, #tpu.memory_space<semaphore_mem>>) src(%dma_wait3A_64 : memref<10240x48xf32, #tpu.memory_space<hbm>>) dst(%arg8 : memref<128x48xf32, #tpu.memory_space<vmem>>)
    %run_scoped3A = arith.constant 78 : i32
    "tpu.region"() ({
      %run_scoped3A_70 = tpu.sem_alloc : memref<!tpu.dma_semaphore, #tpu.memory_space<semaphore_mem>>
      %dma_start3A_71 = arith.constant 0 : i32
      %dma_start3A_72 = tpu.memref_slice %arg7[%run_scoped3A, %dma_start3A_71] : memref<79x128xi32, #tpu.memory_space<vmem>> -> memref<1x128xi32, #tpu.memory_space<vmem>>
      %dma_start3A_73 = tpu.memref_squeeze %dma_start3A_72 : memref<1x128xi32, #tpu.memory_space<vmem>> -> memref<128xi32, #tpu.memory_space<vmem>>
      %dma_start3A_74 = arith.constant 0 : i32
      %dma_start3A_75 = arith.constant 0 : i32
      %dma_start3A_76 = tpu.memref_slice %arg11[%dma_start3A_74, %dma_start3A_75] : memref<10240x48xf32, #tpu.memory_space<vmem_shared>> -> memref<10240x48xf32, #tpu.memory_space<vmem_shared>>
      tpu.enqueue_indirect_dma source(%arg8 : memref<128x48xf32, #tpu.memory_space<vmem>>) target(%dma_start3A_76 : memref<10240x48xf32, #tpu.memory_space<vmem_shared>>) offsets(%dma_start3A_73 : memref<128xi32, #tpu.memory_space<vmem>>) semaphore(%run_scoped3A_70 : memref<!tpu.dma_semaphore, #tpu.memory_space<semaphore_mem>>) {add = true}
      %dma_wait3A_77 = arith.constant 0 : i32
      %dma_wait3A_78 = tpu.memref_slice %arg7[%run_scoped3A, %dma_wait3A_77] : memref<79x128xi32, #tpu.memory_space<vmem>> -> memref<1x128xi32, #tpu.memory_space<vmem>>
      %dma_wait3A_79 = tpu.memref_squeeze %dma_wait3A_78 : memref<1x128xi32, #tpu.memory_space<vmem>> -> memref<128xi32, #tpu.memory_space<vmem>>
      %dma_wait3A_80 = arith.constant 0 : i32
      %dma_wait3A_81 = arith.constant 0 : i32
      %dma_wait3A_82 = tpu.memref_slice %arg11[%dma_wait3A_80, %dma_wait3A_81] : memref<10240x48xf32, #tpu.memory_space<vmem_shared>> -> memref<10240x48xf32, #tpu.memory_space<vmem_shared>>
      tpu.wait_indirect_dma semaphore(%run_scoped3A_70 : memref<!tpu.dma_semaphore, #tpu.memory_space<semaphore_mem>>) src(%arg8 : memref<128x48xf32, #tpu.memory_space<vmem>>) dst(%dma_wait3A_82 : memref<10240x48xf32, #tpu.memory_space<vmem_shared>>)
      tpu.yield
    }) : () -> ()
    %barrier3A_65 = arith.constant 0 : index
    tpu.barrier barrier_id(%barrier3A_65)
    %mul3A_66 = arith.constant 640 : i32
    %mul3A_67 = arith.muli %arg1, %mul3A_66 : i32
    %mul3A_68 = arith.constant 640 : i32
    %mul3A_69 = arith.muli %arg1, %mul3A_68 : i32
    "tpu.region"() ({
      %run_scoped3A_70 = tpu.sem_alloc : memref<!tpu.dma_semaphore, #tpu.memory_space<semaphore_mem>>
      %dma_start3A_71 = arith.constant 0 : i32
      %dma_start3A_72 = tpu.memref_slice %arg5[%arg0, %mul3A_69, %dma_start3A_71] : memref<2x10240x48xf32, #tpu.memory_space<hbm>> -> memref<1x640x48xf32, #tpu.memory_space<hbm>>
      %dma_start3A_73 = tpu.memref_squeeze %dma_start3A_72 : memref<1x640x48xf32, #tpu.memory_space<hbm>> -> memref<640x48xf32, #tpu.memory_space<hbm>>
      %dma_start3A_74 = arith.constant 0 : i32
      %dma_start3A_75 = tpu.memref_slice %arg11[%mul3A_67, %dma_start3A_74] : memref<10240x48xf32, #tpu.memory_space<vmem_shared>> -> memref<640x48xf32, #tpu.memory_space<vmem_shared>>
      tpu.enqueue_dma source(%dma_start3A_75 : memref<640x48xf32, #tpu.memory_space<vmem_shared>>) target(%dma_start3A_73 : memref<640x48xf32, #tpu.memory_space<hbm>>) target_semaphore(%run_scoped3A_70 : memref<!tpu.dma_semaphore, #tpu.memory_space<semaphore_mem>>)
      %dma_wait3A_76 = arith.constant 0 : i32
      %dma_wait3A_77 = tpu.memref_slice %arg5[%arg0, %mul3A_69, %dma_wait3A_76] : memref<2x10240x48xf32, #tpu.memory_space<hbm>> -> memref<1x640x48xf32, #tpu.memory_space<hbm>>
      %dma_wait3A_78 = tpu.memref_squeeze %dma_wait3A_77 : memref<1x640x48xf32, #tpu.memory_space<hbm>> -> memref<640x48xf32, #tpu.memory_space<hbm>>
      %dma_wait3A_79 = arith.constant 0 : i32
      %dma_wait3A_80 = tpu.memref_slice %arg11[%mul3A_67, %dma_wait3A_79] : memref<10240x48xf32, #tpu.memory_space<vmem_shared>> -> memref<640x48xf32, #tpu.memory_space<vmem_shared>>
      tpu.wait_dma2 semaphore(%run_scoped3A_70 : memref<!tpu.dma_semaphore, #tpu.memory_space<semaphore_mem>>) src(%dma_wait3A_80 : memref<640x48xf32, #tpu.memory_space<vmem_shared>>) dst(%dma_wait3A_78 : memref<640x48xf32, #tpu.memory_space<hbm>>)
      tpu.yield
    }) : () -> ()
    return
  }
}

#map = affine_map<(d0, d1) -> (0)>
#map1 = affine_map<(d0, d1) -> (0, 0)>
module attributes {stable_mosaic.version = 14 : i64} {
  func.func @_sc_degree(%arg0: i32, %arg1: i32, %arg2: memref<323584xi32, #tpu.memory_space<hbm>>, %arg3: memref<32x10240xf32, #tpu.memory_space<hbm>>, %arg4: memref<10112xi32, #tpu.memory_space<vmem>>, %arg5: memref<10240xf32, #tpu.memory_space<vmem>>, %arg6: memref<!tpu.dma_semaphore, #tpu.memory_space<semaphore_mem>>) attributes {dimension_semantics = [#tpu.dimension_semantics<core_parallel>, #tpu.dimension_semantics<subcore_parallel>], iteration_bounds = array<i64: 2, 16>, scalar_prefetch = 0 : i64, scratch_operands = 3 : i64, tpu.core_type = #tpu.core_type<sc_vector_subcore>, window_params = [{transform_indices = #map}, {transform_indices = #map1}]} {
    %mul3A = arith.constant 2 : i32
    %mul3A_0 = arith.muli %arg1, %mul3A : i32
    %add3A = arith.addi %mul3A_0, %arg0 : i32
    %scan3A = arith.constant 0 : i32
    %scan3A_1 = arith.constant 0 : i32
    %scan3A_2 = arith.constant 640 : i32
    %scan3A_3 = arith.addi %scan3A_1, %scan3A_2 : i32
    %scan3A_4 = arith.constant 1 : i32
    %scan3A_5 = scf.for %scan3A_17 = %scan3A_1 to %scan3A_3 step %scan3A_4 iter_args(%scan3A_18 = %scan3A) -> (i32)  : i32 {
      %broadcast_in_dim3A_19 = arith.constant 0.000000e+00 : f32
      %broadcast_in_dim3A_20 = vector.broadcast %broadcast_in_dim3A_19 : f32 to vector<16xf32>
      %mul3A_21 = arith.constant 16 : i32
      %mul3A_22 = arith.muli %scan3A_17, %mul3A_21 : i32
      %swap3A = arith.index_cast %mul3A_22 : i32 to index
      %swap3A_23 = tpu.vector_load %arg5[%swap3A] {strides = array<i32>} : memref<10240xf32, #tpu.memory_space<vmem>>, vector<16xf32>,
      tpu.vector_store %arg5[%swap3A], %broadcast_in_dim3A_20 {strides = array<i32>} : memref<10240xf32, #tpu.memory_space<vmem>>, vector<16xf32>,
      %scan3A_24 = arith.constant 0 : i32
      scf.yield %scan3A_24 : i32
    }
    %scan3A_6 = arith.constant 640 : i32
    %mul3A_7 = arith.constant 10112 : i32
    %mul3A_8 = arith.muli %add3A, %mul3A_7 : i32
    "tpu.region"() ({
      %run_scoped3A = tpu.sem_alloc : memref<!tpu.dma_semaphore, #tpu.memory_space<semaphore_mem>>
      %dma_start3A = tpu.memref_slice %arg2[%mul3A_8] : memref<323584xi32, #tpu.memory_space<hbm>> -> memref<10112xi32, #tpu.memory_space<hbm>>
      %dma_start3A_17 = tpu.memref_slice %arg2[%mul3A_8] : memref<323584xi32, #tpu.memory_space<hbm>> -> memref<10112xi32, #tpu.memory_space<hbm>>
      tpu.enqueue_dma source(%dma_start3A_17 : memref<10112xi32, #tpu.memory_space<hbm>>) target(%arg4 : memref<10112xi32, #tpu.memory_space<vmem>>) target_semaphore(%run_scoped3A : memref<!tpu.dma_semaphore, #tpu.memory_space<semaphore_mem>>)
      %dma_wait3A = tpu.memref_slice %arg2[%mul3A_8] : memref<323584xi32, #tpu.memory_space<hbm>> -> memref<10112xi32, #tpu.memory_space<hbm>>
      %dma_wait3A_18 = tpu.memref_slice %arg2[%mul3A_8] : memref<323584xi32, #tpu.memory_space<hbm>> -> memref<10112xi32, #tpu.memory_space<hbm>>
      tpu.wait_dma2 semaphore(%run_scoped3A : memref<!tpu.dma_semaphore, #tpu.memory_space<semaphore_mem>>) src(%dma_wait3A_18 : memref<10112xi32, #tpu.memory_space<hbm>>) dst(%arg4 : memref<10112xi32, #tpu.memory_space<vmem>>)
      tpu.yield
    }) : () -> ()
    %broadcast_in_dim3A = arith.constant 1.000000e+00 : f32
    %broadcast_in_dim3A_9 = vector.broadcast %broadcast_in_dim3A : f32 to vector<16xf32>
    %scan3A_10 = arith.constant 0 : i32
    %scan3A_11 = arith.constant 0 : i32
    %scan3A_12 = arith.constant 632 : i32
    %scan3A_13 = arith.addi %scan3A_11, %scan3A_12 : i32
    %scan3A_14 = arith.constant 1 : i32
    %scan3A_15 = scf.for %scan3A_17 = %scan3A_11 to %scan3A_13 step %scan3A_14 iter_args(%scan3A_18 = %scan3A_10) -> (i32)  : i32 {
      %mul3A_19 = arith.constant 16 : i32
      %mul3A_20 = arith.muli %scan3A_17, %mul3A_19 : i32
      %get3A = arith.index_cast %mul3A_20 : i32 to index
      %get3A_21 = tpu.vector_load %arg4[%get3A] {strides = array<i32>} : memref<10112xi32, #tpu.memory_space<vmem>>, vector<16xi32>,
      tpu.vector_store_idx %arg5[%get3A_21], %broadcast_in_dim3A_9 {add = true} : memref<10240xf32, #tpu.memory_space<vmem>>[vector<16xi32>], vector<16xf32>,
      %scan3A_22 = arith.constant 0 : i32
      scf.yield %scan3A_22 : i32
    }
    %scan3A_16 = arith.constant 632 : i32
    "tpu.region"() ({
      %run_scoped3A = tpu.sem_alloc : memref<!tpu.dma_semaphore, #tpu.memory_space<semaphore_mem>>
      %dma_start3A = arith.constant 0 : i32
      %dma_start3A_17 = tpu.memref_slice %arg3[%add3A, %dma_start3A] : memref<32x10240xf32, #tpu.memory_space<hbm>> -> memref<1x10240xf32, #tpu.memory_space<hbm>>
      %dma_start3A_18 = tpu.memref_squeeze %dma_start3A_17 : memref<1x10240xf32, #tpu.memory_space<hbm>> -> memref<10240xf32, #tpu.memory_space<hbm>>
      %dma_start3A_19 = arith.constant 0 : i32
      %dma_start3A_20 = tpu.memref_slice %arg3[%add3A, %dma_start3A_19] : memref<32x10240xf32, #tpu.memory_space<hbm>> -> memref<1x10240xf32, #tpu.memory_space<hbm>>
      %dma_start3A_21 = tpu.memref_squeeze %dma_start3A_20 : memref<1x10240xf32, #tpu.memory_space<hbm>> -> memref<10240xf32, #tpu.memory_space<hbm>>
      tpu.enqueue_dma source(%arg5 : memref<10240xf32, #tpu.memory_space<vmem>>) target(%dma_start3A_21 : memref<10240xf32, #tpu.memory_space<hbm>>) target_semaphore(%run_scoped3A : memref<!tpu.dma_semaphore, #tpu.memory_space<semaphore_mem>>)
      %dma_wait3A = arith.constant 0 : i32
      %dma_wait3A_22 = tpu.memref_slice %arg3[%add3A, %dma_wait3A] : memref<32x10240xf32, #tpu.memory_space<hbm>> -> memref<1x10240xf32, #tpu.memory_space<hbm>>
      %dma_wait3A_23 = tpu.memref_squeeze %dma_wait3A_22 : memref<1x10240xf32, #tpu.memory_space<hbm>> -> memref<10240xf32, #tpu.memory_space<hbm>>
      %dma_wait3A_24 = arith.constant 0 : i32
      %dma_wait3A_25 = tpu.memref_slice %arg3[%add3A, %dma_wait3A_24] : memref<32x10240xf32, #tpu.memory_space<hbm>> -> memref<1x10240xf32, #tpu.memory_space<hbm>>
      %dma_wait3A_26 = tpu.memref_squeeze %dma_wait3A_25 : memref<1x10240xf32, #tpu.memory_space<hbm>> -> memref<10240xf32, #tpu.memory_space<hbm>>
      tpu.wait_dma2 semaphore(%run_scoped3A : memref<!tpu.dma_semaphore, #tpu.memory_space<semaphore_mem>>) src(%arg5 : memref<10240xf32, #tpu.memory_space<vmem>>) dst(%dma_wait3A_26 : memref<10240xf32, #tpu.memory_space<hbm>>)
      tpu.yield
    }) : () -> ()
    return
  }
}

#map = affine_map<(d0, d1) -> (0, 0, 0)>
#map1 = affine_map<(d0, d1) -> (0, 0)>
module attributes {stable_mosaic.version = 14 : i64} {
  func.func @_sc_scatter(%arg0: i32, %arg1: i32, %arg2: memref<32x79x128xi32, #tpu.memory_space<hbm>>, %arg3: memref<32x79x128xi32, #tpu.memory_space<hbm>>, %arg4: memref<10240x64xf32, #tpu.memory_space<hbm>>, %arg5: memref<2x10240x64xf32, #tpu.memory_space<hbm>>, %arg6: memref<79x128xi32, #tpu.memory_space<vmem>>, %arg7: memref<79x128xi32, #tpu.memory_space<vmem>>, %arg8: memref<128x64xf32, #tpu.memory_space<vmem>>, %arg9: memref<128x64xf32, #tpu.memory_space<vmem>>, %arg10: memref<128x64xf32, #tpu.memory_space<vmem>>, %arg11: memref<10240x64xf32, #tpu.memory_space<vmem_shared>>, %arg12: memref<!tpu.dma_semaphore, #tpu.memory_space<semaphore_mem>>, %arg13: memref<!tpu.dma_semaphore, #tpu.memory_space<semaphore_mem>>, %arg14: memref<!tpu.dma_semaphore, #tpu.memory_space<semaphore_mem>>) attributes {dimension_semantics = [#tpu.dimension_semantics<core_parallel>, #tpu.dimension_semantics<subcore_parallel>], iteration_bounds = array<i64: 2, 16>, scalar_prefetch = 0 : i64, scratch_operands = 9 : i64, tpu.core_type = #tpu.core_type<sc_vector_subcore>, window_params = [{transform_indices = #map}, {transform_indices = #map}, {transform_indices = #map1}, {transform_indices = #map}]} {
    %mul3A = arith.constant 2 : i32
    %mul3A_0 = arith.muli %arg1, %mul3A : i32
    %add3A = arith.addi %mul3A_0, %arg0 : i32
    %dma_start3A = arith.constant 0 : i32
    %dma_start3A_1 = arith.constant 0 : i32
    %dma_start3A_2 = tpu.memref_slice %arg2[%add3A, %dma_start3A, %dma_start3A_1] : memref<32x79x128xi32, #tpu.memory_space<hbm>> -> memref<1x79x128xi32, #tpu.memory_space<hbm>>
    %dma_start3A_3 = tpu.memref_squeeze %dma_start3A_2 : memref<1x79x128xi32, #tpu.memory_space<hbm>> -> memref<79x128xi32, #tpu.memory_space<hbm>>
    %dma_start3A_4 = arith.constant 0 : i32
    %dma_start3A_5 = arith.constant 0 : i32
    %dma_start3A_6 = tpu.memref_slice %arg2[%add3A, %dma_start3A_4, %dma_start3A_5] : memref<32x79x128xi32, #tpu.memory_space<hbm>> -> memref<1x79x128xi32, #tpu.memory_space<hbm>>
    %dma_start3A_7 = tpu.memref_squeeze %dma_start3A_6 : memref<1x79x128xi32, #tpu.memory_space<hbm>> -> memref<79x128xi32, #tpu.memory_space<hbm>>
    tpu.enqueue_dma source(%dma_start3A_7 : memref<79x128xi32, #tpu.memory_space<hbm>>) target(%arg6 : memref<79x128xi32, #tpu.memory_space<vmem>>) target_semaphore(%arg14 : memref<!tpu.dma_semaphore, #tpu.memory_space<semaphore_mem>>)
    %dma_start3A_8 = arith.constant 0 : i32
    %dma_start3A_9 = arith.constant 0 : i32
    %dma_start3A_10 = tpu.memref_slice %arg3[%add3A, %dma_start3A_8, %dma_start3A_9] : memref<32x79x128xi32, #tpu.memory_space<hbm>> -> memref<1x79x128xi32, #tpu.memory_space<hbm>>
    %dma_start3A_11 = tpu.memref_squeeze %dma_start3A_10 : memref<1x79x128xi32, #tpu.memory_space<hbm>> -> memref<79x128xi32, #tpu.memory_space<hbm>>
    %dma_start3A_12 = arith.constant 0 : i32
    %dma_start3A_13 = arith.constant 0 : i32
    %dma_start3A_14 = tpu.memref_slice %arg3[%add3A, %dma_start3A_12, %dma_start3A_13] : memref<32x79x128xi32, #tpu.memory_space<hbm>> -> memref<1x79x128xi32, #tpu.memory_space<hbm>>
    %dma_start3A_15 = tpu.memref_squeeze %dma_start3A_14 : memref<1x79x128xi32, #tpu.memory_space<hbm>> -> memref<79x128xi32, #tpu.memory_space<hbm>>
    tpu.enqueue_dma source(%dma_start3A_15 : memref<79x128xi32, #tpu.memory_space<hbm>>) target(%arg7 : memref<79x128xi32, #tpu.memory_space<vmem>>) target_semaphore(%arg14 : memref<!tpu.dma_semaphore, #tpu.memory_space<semaphore_mem>>)
    %scan3A = arith.constant 0 : i32
    %scan3A_16 = arith.constant 0 : i32
    %scan3A_17 = arith.constant 512 : i32
    %scan3A_18 = arith.addi %scan3A_16, %scan3A_17 : i32
    %scan3A_19 = arith.constant 1 : i32
    %scan3A_20 = scf.for %scan3A_70 = %scan3A_16 to %scan3A_18 step %scan3A_19 iter_args(%scan3A_71 = %scan3A) -> (i32)  : i32 {
      %jit3A = arith.constant 4 : i32
      %div3A = arith.divsi %scan3A_70, %jit3A : i32
      %sign3A = arith.constant 0 : i32
      %sign3A_72 = arith.cmpi sgt, %scan3A_70, %sign3A : i32
      %sign3A_73 = arith.extui %sign3A_72 : i1 to i32
      %sign3A_74 = arith.constant 0 : i32
      %sign3A_75 = arith.cmpi slt, %scan3A_70, %sign3A_74 : i32
      %sign3A_76 = arith.extui %sign3A_75 : i1 to i32
      %sign3A_77 = arith.subi %sign3A_73, %sign3A_76 : i32
      %sign3A_78 = arith.constant 0 : i32
      %sign3A_79 = arith.cmpi sgt, %jit3A, %sign3A_78 : i32
      %sign3A_80 = arith.extui %sign3A_79 : i1 to i32
      %sign3A_81 = arith.constant 0 : i32
      %sign3A_82 = arith.cmpi slt, %jit3A, %sign3A_81 : i32
      %sign3A_83 = arith.extui %sign3A_82 : i1 to i32
      %sign3A_84 = arith.subi %sign3A_80, %sign3A_83 : i32
      %ne3A = arith.cmpi ne, %sign3A_77, %sign3A_84 : i32
      %rem3A = arith.remsi %scan3A_70, %jit3A : i32
      %ne3A_85 = arith.constant 0 : i32
      %ne3A_86 = arith.cmpi ne, %rem3A, %ne3A_85 : i32
      %and3A = arith.andi %ne3A, %ne3A_86 : i1
      %sub3A = arith.constant 1 : i32
      %sub3A_87 = arith.subi %div3A, %sub3A : i32
      %select_n3A = arith.select %and3A, %sub3A_87, %div3A : i32
      %jit3A_88 = arith.constant 4 : i32
      %eq3A = arith.constant 0 : i32
      %eq3A_89 = arith.cmpi eq, %jit3A_88, %eq3A : i32
      %jit3A_90 = arith.constant 1 : i32
      %select_n3A_91 = arith.select %eq3A_89, %jit3A_90, %jit3A_88 : i32
      %rem3A_92 = arith.remsi %scan3A_70, %select_n3A_91 : i32
      %ne3A_93 = arith.constant 0 : i32
      %ne3A_94 = arith.cmpi ne, %rem3A_92, %ne3A_93 : i32
      %lt3A = arith.constant 0 : i32
      %lt3A_95 = arith.cmpi slt, %rem3A_92, %lt3A : i32
      %lt3A_96 = arith.constant 0 : i32
      %lt3A_97 = arith.cmpi slt, %select_n3A_91, %lt3A_96 : i32
      %ne3A_98 = arith.xori %lt3A_95, %lt3A_97 : i1
      %and3A_99 = arith.andi %ne3A_98, %ne3A_94 : i1
      %add3A_100 = arith.addi %rem3A_92, %select_n3A_91 : i32
      %select_n3A_101 = arith.select %and3A_99, %add3A_100, %rem3A_92 : i32
      %broadcast_in_dim3A = arith.constant 0.000000e+00 : f32
      %broadcast_in_dim3A_102 = vector.broadcast %broadcast_in_dim3A : f32 to vector<16xf32>
      %mul3A_103 = arith.constant 16 : i32
      %mul3A_104 = arith.muli %select_n3A_101, %mul3A_103 : i32
      %swap3A = arith.index_cast %select_n3A : i32 to index
      %swap3A_105 = arith.index_cast %mul3A_104 : i32 to index
      %swap3A_106 = tpu.vector_load %arg10[%swap3A, %swap3A_105] {strides = array<i32>} : memref<128x64xf32, #tpu.memory_space<vmem>>, vector<16xf32>,
      tpu.vector_store %arg10[%swap3A, %swap3A_105], %broadcast_in_dim3A_102 {strides = array<i32>} : memref<128x64xf32, #tpu.memory_space<vmem>>, vector<16xf32>,
      %scan3A_107 = arith.constant 0 : i32
      scf.yield %scan3A_107 : i32
    }
    %scan3A_21 = arith.constant 512 : i32
    %scan3A_22 = arith.constant 0 : i32
    %scan3A_23 = arith.constant 0 : i32
    %scan3A_24 = arith.constant 5 : i32
    %scan3A_25 = arith.addi %scan3A_23, %scan3A_24 : i32
    %scan3A_26 = arith.constant 1 : i32
    %scan3A_27 = scf.for %scan3A_70 = %scan3A_23 to %scan3A_25 step %scan3A_26 iter_args(%scan3A_71 = %scan3A_22) -> (i32)  : i32 {
      %mul3A_72 = arith.constant 640 : i32
      %mul3A_73 = arith.muli %arg1, %mul3A_72 : i32
      %mul3A_74 = arith.constant 128 : i32
      %mul3A_75 = arith.muli %scan3A_70, %mul3A_74 : i32
      %add3A_76 = arith.addi %mul3A_73, %mul3A_75 : i32
      "tpu.region"() ({
        %run_scoped3A_78 = tpu.sem_alloc : memref<!tpu.dma_semaphore, #tpu.memory_space<semaphore_mem>>
        %dma_start3A_79 = arith.constant 0 : i32
        %dma_start3A_80 = tpu.memref_slice %arg11[%add3A_76, %dma_start3A_79] : memref<10240x64xf32, #tpu.memory_space<vmem_shared>> -> memref<128x64xf32, #tpu.memory_space<vmem_shared>>
        %dma_start3A_81 = arith.constant 0 : i32
        %dma_start3A_82 = tpu.memref_slice %arg11[%add3A_76, %dma_start3A_81] : memref<10240x64xf32, #tpu.memory_space<vmem_shared>> -> memref<128x64xf32, #tpu.memory_space<vmem_shared>>
        tpu.enqueue_dma source(%arg10 : memref<128x64xf32, #tpu.memory_space<vmem>>) target(%dma_start3A_82 : memref<128x64xf32, #tpu.memory_space<vmem_shared>>) target_semaphore(%run_scoped3A_78 : memref<!tpu.dma_semaphore, #tpu.memory_space<semaphore_mem>>)
        %dma_wait3A_83 = arith.constant 0 : i32
        %dma_wait3A_84 = tpu.memref_slice %arg11[%add3A_76, %dma_wait3A_83] : memref<10240x64xf32, #tpu.memory_space<vmem_shared>> -> memref<128x64xf32, #tpu.memory_space<vmem_shared>>
        %dma_wait3A_85 = arith.constant 0 : i32
        %dma_wait3A_86 = tpu.memref_slice %arg11[%add3A_76, %dma_wait3A_85] : memref<10240x64xf32, #tpu.memory_space<vmem_shared>> -> memref<128x64xf32, #tpu.memory_space<vmem_shared>>
        tpu.wait_dma2 semaphore(%run_scoped3A_78 : memref<!tpu.dma_semaphore, #tpu.memory_space<semaphore_mem>>) src(%arg10 : memref<128x64xf32, #tpu.memory_space<vmem>>) dst(%dma_wait3A_86 : memref<128x64xf32, #tpu.memory_space<vmem_shared>>)
        tpu.yield
      }) : () -> ()
      %scan3A_77 = arith.constant 0 : i32
      scf.yield %scan3A_77 : i32
    }
    %scan3A_28 = arith.constant 5 : i32
    %dma_wait3A = arith.constant 0 : i32
    %dma_wait3A_29 = arith.constant 0 : i32
    %dma_wait3A_30 = tpu.memref_slice %arg2[%add3A, %dma_wait3A, %dma_wait3A_29] : memref<32x79x128xi32, #tpu.memory_space<hbm>> -> memref<1x79x128xi32, #tpu.memory_space<hbm>>
    %dma_wait3A_31 = tpu.memref_squeeze %dma_wait3A_30 : memref<1x79x128xi32, #tpu.memory_space<hbm>> -> memref<79x128xi32, #tpu.memory_space<hbm>>
    %dma_wait3A_32 = arith.constant 0 : i32
    %dma_wait3A_33 = arith.constant 0 : i32
    %dma_wait3A_34 = tpu.memref_slice %arg2[%add3A, %dma_wait3A_32, %dma_wait3A_33] : memref<32x79x128xi32, #tpu.memory_space<hbm>> -> memref<1x79x128xi32, #tpu.memory_space<hbm>>
    %dma_wait3A_35 = tpu.memref_squeeze %dma_wait3A_34 : memref<1x79x128xi32, #tpu.memory_space<hbm>> -> memref<79x128xi32, #tpu.memory_space<hbm>>
    tpu.wait_dma2 semaphore(%arg14 : memref<!tpu.dma_semaphore, #tpu.memory_space<semaphore_mem>>) src(%dma_wait3A_35 : memref<79x128xi32, #tpu.memory_space<hbm>>) dst(%arg6 : memref<79x128xi32, #tpu.memory_space<vmem>>)
    %dma_wait3A_36 = arith.constant 0 : i32
    %dma_wait3A_37 = arith.constant 0 : i32
    %dma_wait3A_38 = tpu.memref_slice %arg3[%add3A, %dma_wait3A_36, %dma_wait3A_37] : memref<32x79x128xi32, #tpu.memory_space<hbm>> -> memref<1x79x128xi32, #tpu.memory_space<hbm>>
    %dma_wait3A_39 = tpu.memref_squeeze %dma_wait3A_38 : memref<1x79x128xi32, #tpu.memory_space<hbm>> -> memref<79x128xi32, #tpu.memory_space<hbm>>
    %dma_wait3A_40 = arith.constant 0 : i32
    %dma_wait3A_41 = arith.constant 0 : i32
    %dma_wait3A_42 = tpu.memref_slice %arg3[%add3A, %dma_wait3A_40, %dma_wait3A_41] : memref<32x79x128xi32, #tpu.memory_space<hbm>> -> memref<1x79x128xi32, #tpu.memory_space<hbm>>
    %dma_wait3A_43 = tpu.memref_squeeze %dma_wait3A_42 : memref<1x79x128xi32, #tpu.memory_space<hbm>> -> memref<79x128xi32, #tpu.memory_space<hbm>>
    tpu.wait_dma2 semaphore(%arg14 : memref<!tpu.dma_semaphore, #tpu.memory_space<semaphore_mem>>) src(%dma_wait3A_43 : memref<79x128xi32, #tpu.memory_space<hbm>>) dst(%arg7 : memref<79x128xi32, #tpu.memory_space<vmem>>)
    %barrier3A = arith.constant 0 : index
    tpu.barrier barrier_id(%barrier3A)
    %dma_start3A_44 = arith.constant 0 : i32
    %dma_start3A_45 = arith.constant 0 : i32
    %dma_start3A_46 = tpu.memref_slice %arg6[%dma_start3A_44, %dma_start3A_45] : memref<79x128xi32, #tpu.memory_space<vmem>> -> memref<1x128xi32, #tpu.memory_space<vmem>>
    %dma_start3A_47 = tpu.memref_squeeze %dma_start3A_46 : memref<1x128xi32, #tpu.memory_space<vmem>> -> memref<128xi32, #tpu.memory_space<vmem>>
    %dma_start3A_48 = arith.constant 0 : i32
    %dma_start3A_49 = arith.constant 0 : i32
    %dma_start3A_50 = tpu.memref_slice %arg4[%dma_start3A_48, %dma_start3A_49] : memref<10240x64xf32, #tpu.memory_space<hbm>> -> memref<10240x64xf32, #tpu.memory_space<hbm>>
    tpu.enqueue_indirect_dma source(%dma_start3A_50 : memref<10240x64xf32, #tpu.memory_space<hbm>>) target(%arg8 : memref<128x64xf32, #tpu.memory_space<vmem>>) offsets(%dma_start3A_47 : memref<128xi32, #tpu.memory_space<vmem>>) semaphore(%arg12 : memref<!tpu.dma_semaphore, #tpu.memory_space<semaphore_mem>>)
    %scan3A_51 = arith.constant 0 : i32
    %scan3A_52 = arith.constant 0 : i32
    %scan3A_53 = arith.constant 39 : i32
    %scan3A_54 = arith.addi %scan3A_52, %scan3A_53 : i32
    %scan3A_55 = arith.constant 1 : i32
    %scan3A_56 = scf.for %scan3A_70 = %scan3A_52 to %scan3A_54 step %scan3A_55 iter_args(%scan3A_71 = %scan3A_51) -> (i32)  : i32 {
      %mul3A_72 = arith.constant 2 : i32
      %mul3A_73 = arith.muli %mul3A_72, %scan3A_70 : i32
      %add3A_74 = arith.constant 1 : i32
      %add3A_75 = arith.addi %mul3A_73, %add3A_74 : i32
      %dma_start3A_76 = arith.constant 0 : i32
      %dma_start3A_77 = tpu.memref_slice %arg6[%add3A_75, %dma_start3A_76] : memref<79x128xi32, #tpu.memory_space<vmem>> -> memref<1x128xi32, #tpu.memory_space<vmem>>
      %dma_start3A_78 = tpu.memref_squeeze %dma_start3A_77 : memref<1x128xi32, #tpu.memory_space<vmem>> -> memref<128xi32, #tpu.memory_space<vmem>>
      %dma_start3A_79 = arith.constant 0 : i32
      %dma_start3A_80 = arith.constant 0 : i32
      %dma_start3A_81 = tpu.memref_slice %arg4[%dma_start3A_79, %dma_start3A_80] : memref<10240x64xf32, #tpu.memory_space<hbm>> -> memref<10240x64xf32, #tpu.memory_space<hbm>>
      tpu.enqueue_indirect_dma source(%dma_start3A_81 : memref<10240x64xf32, #tpu.memory_space<hbm>>) target(%arg9 : memref<128x64xf32, #tpu.memory_space<vmem>>) offsets(%dma_start3A_78 : memref<128xi32, #tpu.memory_space<vmem>>) semaphore(%arg13 : memref<!tpu.dma_semaphore, #tpu.memory_space<semaphore_mem>>)
      %dma_wait3A_82 = arith.constant 0 : i32
      %dma_wait3A_83 = arith.constant 0 : i32
      %dma_wait3A_84 = tpu.memref_slice %arg6[%dma_wait3A_82, %dma_wait3A_83] : memref<79x128xi32, #tpu.memory_space<vmem>> -> memref<1x128xi32, #tpu.memory_space<vmem>>
      %dma_wait3A_85 = tpu.memref_squeeze %dma_wait3A_84 : memref<1x128xi32, #tpu.memory_space<vmem>> -> memref<128xi32, #tpu.memory_space<vmem>>
      %dma_wait3A_86 = arith.constant 0 : i32
      %dma_wait3A_87 = arith.constant 0 : i32
      %dma_wait3A_88 = tpu.memref_slice %arg4[%dma_wait3A_86, %dma_wait3A_87] : memref<10240x64xf32, #tpu.memory_space<hbm>> -> memref<10240x64xf32, #tpu.memory_space<hbm>>
      tpu.wait_indirect_dma semaphore(%arg12 : memref<!tpu.dma_semaphore, #tpu.memory_space<semaphore_mem>>) src(%dma_wait3A_88 : memref<10240x64xf32, #tpu.memory_space<hbm>>) dst(%arg8 : memref<128x64xf32, #tpu.memory_space<vmem>>)
      "tpu.region"() ({
        %run_scoped3A_103 = tpu.sem_alloc : memref<!tpu.dma_semaphore, #tpu.memory_space<semaphore_mem>>
        %dma_start3A_104 = arith.constant 0 : i32
        %dma_start3A_105 = tpu.memref_slice %arg7[%mul3A_73, %dma_start3A_104] : memref<79x128xi32, #tpu.memory_space<vmem>> -> memref<1x128xi32, #tpu.memory_space<vmem>>
        %dma_start3A_106 = tpu.memref_squeeze %dma_start3A_105 : memref<1x128xi32, #tpu.memory_space<vmem>> -> memref<128xi32, #tpu.memory_space<vmem>>
        %dma_start3A_107 = arith.constant 0 : i32
        %dma_start3A_108 = arith.constant 0 : i32
        %dma_start3A_109 = tpu.memref_slice %arg11[%dma_start3A_107, %dma_start3A_108] : memref<10240x64xf32, #tpu.memory_space<vmem_shared>> -> memref<10240x64xf32, #tpu.memory_space<vmem_shared>>
        tpu.enqueue_indirect_dma source(%arg8 : memref<128x64xf32, #tpu.memory_space<vmem>>) target(%dma_start3A_109 : memref<10240x64xf32, #tpu.memory_space<vmem_shared>>) offsets(%dma_start3A_106 : memref<128xi32, #tpu.memory_space<vmem>>) semaphore(%run_scoped3A_103 : memref<!tpu.dma_semaphore, #tpu.memory_space<semaphore_mem>>) {add = true}
        %dma_wait3A_110 = arith.constant 0 : i32
        %dma_wait3A_111 = tpu.memref_slice %arg7[%mul3A_73, %dma_wait3A_110] : memref<79x128xi32, #tpu.memory_space<vmem>> -> memref<1x128xi32, #tpu.memory_space<vmem>>
        %dma_wait3A_112 = tpu.memref_squeeze %dma_wait3A_111 : memref<1x128xi32, #tpu.memory_space<vmem>> -> memref<128xi32, #tpu.memory_space<vmem>>
        %dma_wait3A_113 = arith.constant 0 : i32
        %dma_wait3A_114 = arith.constant 0 : i32
        %dma_wait3A_115 = tpu.memref_slice %arg11[%dma_wait3A_113, %dma_wait3A_114] : memref<10240x64xf32, #tpu.memory_space<vmem_shared>> -> memref<10240x64xf32, #tpu.memory_space<vmem_shared>>
        tpu.wait_indirect_dma semaphore(%run_scoped3A_103 : memref<!tpu.dma_semaphore, #tpu.memory_space<semaphore_mem>>) src(%arg8 : memref<128x64xf32, #tpu.memory_space<vmem>>) dst(%dma_wait3A_115 : memref<10240x64xf32, #tpu.memory_space<vmem_shared>>)
        tpu.yield
      }) : () -> ()
      %add3A_89 = arith.constant 2 : i32
      %add3A_90 = arith.addi %mul3A_73, %add3A_89 : i32
      %lt3A = arith.constant 79 : i32
      %lt3A_91 = arith.cmpi slt, %add3A_90, %lt3A : i32
      %convert_element_type3A = arith.extui %lt3A_91 : i1 to i32
      %cond3A = arith.constant 0 : i32
      %cond3A_92 = arith.cmpi ne, %convert_element_type3A, %cond3A : i32
      scf.if %cond3A_92 {
        %add3A_103 = arith.constant 2 : i32
        %add3A_104 = arith.addi %mul3A_73, %add3A_103 : i32
        %dma_start3A_105 = arith.constant 0 : i32
        %dma_start3A_106 = tpu.memref_slice %arg6[%add3A_104, %dma_start3A_105] : memref<79x128xi32, #tpu.memory_space<vmem>> -> memref<1x128xi32, #tpu.memory_space<vmem>>
        %dma_start3A_107 = tpu.memref_squeeze %dma_start3A_106 : memref<1x128xi32, #tpu.memory_space<vmem>> -> memref<128xi32, #tpu.memory_space<vmem>>
        %dma_start3A_108 = arith.constant 0 : i32
        %dma_start3A_109 = arith.constant 0 : i32
        %dma_start3A_110 = tpu.memref_slice %arg4[%dma_start3A_108, %dma_start3A_109] : memref<10240x64xf32, #tpu.memory_space<hbm>> -> memref<10240x64xf32, #tpu.memory_space<hbm>>
        tpu.enqueue_indirect_dma source(%dma_start3A_110 : memref<10240x64xf32, #tpu.memory_space<hbm>>) target(%arg8 : memref<128x64xf32, #tpu.memory_space<vmem>>) offsets(%dma_start3A_107 : memref<128xi32, #tpu.memory_space<vmem>>) semaphore(%arg12 : memref<!tpu.dma_semaphore, #tpu.memory_space<semaphore_mem>>)
      } else {
      }
      %dma_wait3A_93 = arith.constant 0 : i32
      %dma_wait3A_94 = arith.constant 0 : i32
      %dma_wait3A_95 = tpu.memref_slice %arg6[%dma_wait3A_93, %dma_wait3A_94] : memref<79x128xi32, #tpu.memory_space<vmem>> -> memref<1x128xi32, #tpu.memory_space<vmem>>
      %dma_wait3A_96 = tpu.memref_squeeze %dma_wait3A_95 : memref<1x128xi32, #tpu.memory_space<vmem>> -> memref<128xi32, #tpu.memory_space<vmem>>
      %dma_wait3A_97 = arith.constant 0 : i32
      %dma_wait3A_98 = arith.constant 0 : i32
      %dma_wait3A_99 = tpu.memref_slice %arg4[%dma_wait3A_97, %dma_wait3A_98] : memref<10240x64xf32, #tpu.memory_space<hbm>> -> memref<10240x64xf32, #tpu.memory_space<hbm>>
      tpu.wait_indirect_dma semaphore(%arg13 : memref<!tpu.dma_semaphore, #tpu.memory_space<semaphore_mem>>) src(%dma_wait3A_99 : memref<10240x64xf32, #tpu.memory_space<hbm>>) dst(%arg9 : memref<128x64xf32, #tpu.memory_space<vmem>>)
      %add3A_100 = arith.constant 1 : i32
      %add3A_101 = arith.addi %mul3A_73, %add3A_100 : i32
      "tpu.region"() ({
        %run_scoped3A_103 = tpu.sem_alloc : memref<!tpu.dma_semaphore, #tpu.memory_space<semaphore_mem>>
        %dma_start3A_104 = arith.constant 0 : i32
        %dma_start3A_105 = tpu.memref_slice %arg7[%add3A_101, %dma_start3A_104] : memref<79x128xi32, #tpu.memory_space<vmem>> -> memref<1x128xi32, #tpu.memory_space<vmem>>
        %dma_start3A_106 = tpu.memref_squeeze %dma_start3A_105 : memref<1x128xi32, #tpu.memory_space<vmem>> -> memref<128xi32, #tpu.memory_space<vmem>>
        %dma_start3A_107 = arith.constant 0 : i32
        %dma_start3A_108 = arith.constant 0 : i32
        %dma_start3A_109 = tpu.memref_slice %arg11[%dma_start3A_107, %dma_start3A_108] : memref<10240x64xf32, #tpu.memory_space<vmem_shared>> -> memref<10240x64xf32, #tpu.memory_space<vmem_shared>>
        tpu.enqueue_indirect_dma source(%arg9 : memref<128x64xf32, #tpu.memory_space<vmem>>) target(%dma_start3A_109 : memref<10240x64xf32, #tpu.memory_space<vmem_shared>>) offsets(%dma_start3A_106 : memref<128xi32, #tpu.memory_space<vmem>>) semaphore(%run_scoped3A_103 : memref<!tpu.dma_semaphore, #tpu.memory_space<semaphore_mem>>) {add = true}
        %dma_wait3A_110 = arith.constant 0 : i32
        %dma_wait3A_111 = tpu.memref_slice %arg7[%add3A_101, %dma_wait3A_110] : memref<79x128xi32, #tpu.memory_space<vmem>> -> memref<1x128xi32, #tpu.memory_space<vmem>>
        %dma_wait3A_112 = tpu.memref_squeeze %dma_wait3A_111 : memref<1x128xi32, #tpu.memory_space<vmem>> -> memref<128xi32, #tpu.memory_space<vmem>>
        %dma_wait3A_113 = arith.constant 0 : i32
        %dma_wait3A_114 = arith.constant 0 : i32
        %dma_wait3A_115 = tpu.memref_slice %arg11[%dma_wait3A_113, %dma_wait3A_114] : memref<10240x64xf32, #tpu.memory_space<vmem_shared>> -> memref<10240x64xf32, #tpu.memory_space<vmem_shared>>
        tpu.wait_indirect_dma semaphore(%run_scoped3A_103 : memref<!tpu.dma_semaphore, #tpu.memory_space<semaphore_mem>>) src(%arg9 : memref<128x64xf32, #tpu.memory_space<vmem>>) dst(%dma_wait3A_115 : memref<10240x64xf32, #tpu.memory_space<vmem_shared>>)
        tpu.yield
      }) : () -> ()
      %scan3A_102 = arith.constant 0 : i32
      scf.yield %scan3A_102 : i32
    }
    %scan3A_57 = arith.constant 39 : i32
    %dma_wait3A_58 = arith.constant 0 : i32
    %dma_wait3A_59 = arith.constant 0 : i32
    %dma_wait3A_60 = tpu.memref_slice %arg6[%dma_wait3A_58, %dma_wait3A_59] : memref<79x128xi32, #tpu.memory_space<vmem>> -> memref<1x128xi32, #tpu.memory_space<vmem>>
    %dma_wait3A_61 = tpu.memref_squeeze %dma_wait3A_60 : memref<1x128xi32, #tpu.memory_space<vmem>> -> memref<128xi32, #tpu.memory_space<vmem>>
    %dma_wait3A_62 = arith.constant 0 : i32
    %dma_wait3A_63 = arith.constant 0 : i32
    %dma_wait3A_64 = tpu.memref_slice %arg4[%dma_wait3A_62, %dma_wait3A_63] : memref<10240x64xf32, #tpu.memory_space<hbm>> -> memref<10240x64xf32, #tpu.memory_space<hbm>>
    tpu.wait_indirect_dma semaphore(%arg12 : memref<!tpu.dma_semaphore, #tpu.memory_space<semaphore_mem>>) src(%dma_wait3A_64 : memref<10240x64xf32, #tpu.memory_space<hbm>>) dst(%arg8 : memref<128x64xf32, #tpu.memory_space<vmem>>)
    %run_scoped3A = arith.constant 78 : i32
    "tpu.region"() ({
      %run_scoped3A_70 = tpu.sem_alloc : memref<!tpu.dma_semaphore, #tpu.memory_space<semaphore_mem>>
      %dma_start3A_71 = arith.constant 0 : i32
      %dma_start3A_72 = tpu.memref_slice %arg7[%run_scoped3A, %dma_start3A_71] : memref<79x128xi32, #tpu.memory_space<vmem>> -> memref<1x128xi32, #tpu.memory_space<vmem>>
      %dma_start3A_73 = tpu.memref_squeeze %dma_start3A_72 : memref<1x128xi32, #tpu.memory_space<vmem>> -> memref<128xi32, #tpu.memory_space<vmem>>
      %dma_start3A_74 = arith.constant 0 : i32
      %dma_start3A_75 = arith.constant 0 : i32
      %dma_start3A_76 = tpu.memref_slice %arg11[%dma_start3A_74, %dma_start3A_75] : memref<10240x64xf32, #tpu.memory_space<vmem_shared>> -> memref<10240x64xf32, #tpu.memory_space<vmem_shared>>
      tpu.enqueue_indirect_dma source(%arg8 : memref<128x64xf32, #tpu.memory_space<vmem>>) target(%dma_start3A_76 : memref<10240x64xf32, #tpu.memory_space<vmem_shared>>) offsets(%dma_start3A_73 : memref<128xi32, #tpu.memory_space<vmem>>) semaphore(%run_scoped3A_70 : memref<!tpu.dma_semaphore, #tpu.memory_space<semaphore_mem>>) {add = true}
      %dma_wait3A_77 = arith.constant 0 : i32
      %dma_wait3A_78 = tpu.memref_slice %arg7[%run_scoped3A, %dma_wait3A_77] : memref<79x128xi32, #tpu.memory_space<vmem>> -> memref<1x128xi32, #tpu.memory_space<vmem>>
      %dma_wait3A_79 = tpu.memref_squeeze %dma_wait3A_78 : memref<1x128xi32, #tpu.memory_space<vmem>> -> memref<128xi32, #tpu.memory_space<vmem>>
      %dma_wait3A_80 = arith.constant 0 : i32
      %dma_wait3A_81 = arith.constant 0 : i32
      %dma_wait3A_82 = tpu.memref_slice %arg11[%dma_wait3A_80, %dma_wait3A_81] : memref<10240x64xf32, #tpu.memory_space<vmem_shared>> -> memref<10240x64xf32, #tpu.memory_space<vmem_shared>>
      tpu.wait_indirect_dma semaphore(%run_scoped3A_70 : memref<!tpu.dma_semaphore, #tpu.memory_space<semaphore_mem>>) src(%arg8 : memref<128x64xf32, #tpu.memory_space<vmem>>) dst(%dma_wait3A_82 : memref<10240x64xf32, #tpu.memory_space<vmem_shared>>)
      tpu.yield
    }) : () -> ()
    %barrier3A_65 = arith.constant 0 : index
    tpu.barrier barrier_id(%barrier3A_65)
    %mul3A_66 = arith.constant 640 : i32
    %mul3A_67 = arith.muli %arg1, %mul3A_66 : i32
    %mul3A_68 = arith.constant 640 : i32
    %mul3A_69 = arith.muli %arg1, %mul3A_68 : i32
    "tpu.region"() ({
      %run_scoped3A_70 = tpu.sem_alloc : memref<!tpu.dma_semaphore, #tpu.memory_space<semaphore_mem>>
      %dma_start3A_71 = arith.constant 0 : i32
      %dma_start3A_72 = tpu.memref_slice %arg5[%arg0, %mul3A_69, %dma_start3A_71] : memref<2x10240x64xf32, #tpu.memory_space<hbm>> -> memref<1x640x64xf32, #tpu.memory_space<hbm>>
      %dma_start3A_73 = tpu.memref_squeeze %dma_start3A_72 : memref<1x640x64xf32, #tpu.memory_space<hbm>> -> memref<640x64xf32, #tpu.memory_space<hbm>>
      %dma_start3A_74 = arith.constant 0 : i32
      %dma_start3A_75 = tpu.memref_slice %arg11[%mul3A_67, %dma_start3A_74] : memref<10240x64xf32, #tpu.memory_space<vmem_shared>> -> memref<640x64xf32, #tpu.memory_space<vmem_shared>>
      tpu.enqueue_dma source(%dma_start3A_75 : memref<640x64xf32, #tpu.memory_space<vmem_shared>>) target(%dma_start3A_73 : memref<640x64xf32, #tpu.memory_space<hbm>>) target_semaphore(%run_scoped3A_70 : memref<!tpu.dma_semaphore, #tpu.memory_space<semaphore_mem>>)
      %dma_wait3A_76 = arith.constant 0 : i32
      %dma_wait3A_77 = tpu.memref_slice %arg5[%arg0, %mul3A_69, %dma_wait3A_76] : memref<2x10240x64xf32, #tpu.memory_space<hbm>> -> memref<1x640x64xf32, #tpu.memory_space<hbm>>
      %dma_wait3A_78 = tpu.memref_squeeze %dma_wait3A_77 : memref<1x640x64xf32, #tpu.memory_space<hbm>> -> memref<640x64xf32, #tpu.memory_space<hbm>>
      %dma_wait3A_79 = arith.constant 0 : i32
      %dma_wait3A_80 = tpu.memref_slice %arg11[%mul3A_67, %dma_wait3A_79] : memref<10240x64xf32, #tpu.memory_space<vmem_shared>> -> memref<640x64xf32, #tpu.memory_space<vmem_shared>>
      tpu.wait_dma2 semaphore(%run_scoped3A_70 : memref<!tpu.dma_semaphore, #tpu.memory_space<semaphore_mem>>) src(%dma_wait3A_80 : memref<640x64xf32, #tpu.memory_space<vmem_shared>>) dst(%dma_wait3A_78 : memref<640x64xf32, #tpu.memory_space<hbm>>)
      tpu.yield
    }) : () -> ()
    return
  }
}

module attributes {stable_mosaic.version = 14 : i64} {
  func.func @_tc1_body(%arg0: i32, %arg1: memref<32x2048xf32, #tpu.memory_space<vmem>>, %arg2: memref<2048x128xf32, #tpu.memory_space<vmem>>, %arg3: memref<128x64xf32, #tpu.memory_space<vmem>>, %arg4: memref<2048x64xf32, #tpu.memory_space<vmem>>, %arg5: memref<2048xf32, #tpu.memory_space<vmem>>) attributes {dimension_semantics = [#tpu.dimension_semantics<arbitrary>], iteration_bounds = array<i64: 5>, scalar_prefetch = 0 : i64, scratch_operands = 0 : i64, tpu.core_type = #tpu.core_type<tc>, window_params = [{transform_indices = @transform_0, window_bounds = array<i64: 32, 2048>}, {transform_indices = @transform_1, window_bounds = array<i64: 2048, 128>}, {pipeline_mode = #tpu.pipeline_mode<synchronous>, transform_indices = @transform_2, window_bounds = array<i64: 128, 64>}, {transform_indices = @transform_3, window_bounds = array<i64: 2048, 64>}, {transform_indices = @transform_4, window_bounds = array<i64: 2048>}]} {
    %get3A = arith.constant 0 : index
    %get3A_0 = arith.constant 0 : index
    %get3A_1 = vector.load %arg1[%get3A, %get3A_0] : memref<32x2048xf32, #tpu.memory_space<vmem>>, vector<32x2048xf32>
    %reduce_sum3A = arith.constant dense<0.000000e+00> : vector<2048xf32>
    %reduce_sum3A_2 = vector.multi_reduction <add>, %get3A_1, %reduce_sum3A [0] : vector<32x2048xf32> to vector<2048xf32>
    %add3A = arith.constant 1.000000e+00 : f32
    %add3A_3 = vector.broadcast %add3A : f32 to vector<2048xf32>
    %add3A_4 = arith.addf %reduce_sum3A_2, %add3A_3 : vector<2048xf32>
    %rsqrt3A = math.rsqrt %add3A_4 : vector<2048xf32>
    %swap3A = arith.constant 0 : index
    %swap3A_5 = vector.load %arg5[%swap3A] : memref<2048xf32, #tpu.memory_space<vmem>>, vector<2048xf32>
    tpu.vector_store %arg5[%swap3A], %rsqrt3A {strides = array<i32>} : memref<2048xf32, #tpu.memory_space<vmem>>, vector<2048xf32>,
    %get3A_6 = arith.constant 0 : index
    %get3A_7 = arith.constant 0 : index
    %get3A_8 = vector.load %arg2[%get3A_6, %get3A_7] : memref<2048x128xf32, #tpu.memory_space<vmem>>, vector<2048x128xf32>
    %get3A_9 = arith.constant 0 : index
    %get3A_10 = arith.constant 0 : index
    %get3A_11 = vector.load %arg3[%get3A_9, %get3A_10] : memref<128x64xf32, #tpu.memory_space<vmem>>, vector<128x64xf32>
    %dot_general3A = arith.constant dense<0.000000e+00> : vector<2048x64xf32>
    %dot_general3A_12 = tpu.matmul %get3A_8, %get3A_11, %dot_general3A {dimension_numbers = #tpu.dot_dimension_numbers<[1], [0], [0], [1], [0, 0, 1, 1], [], []>, transpose_lhs_hint = false} : vector<2048x128xf32>, vector<128x64xf32>, vector<2048x64xf32> -> vector<2048x64xf32>
    %broadcast_in_dim3A = vector.shape_cast %rsqrt3A : vector<2048xf32> to vector<2048x1xf32>
    %mul3A = vector.broadcast %broadcast_in_dim3A : vector<2048x1xf32> to vector<2048x64xf32>
    %mul3A_13 = arith.mulf %dot_general3A_12, %mul3A : vector<2048x64xf32>
    %swap3A_14 = arith.constant 0 : index
    %swap3A_15 = arith.constant 0 : index
    %swap3A_16 = vector.load %arg4[%swap3A_14, %swap3A_15] : memref<2048x64xf32, #tpu.memory_space<vmem>>, vector<2048x64xf32>
    tpu.vector_store %arg4[%swap3A_14, %swap3A_15], %mul3A_13 {strides = array<i32>} : memref<2048x64xf32, #tpu.memory_space<vmem>>, vector<2048x64xf32>,
    return
  }
  func.func @transform_0(%arg0: i32) -> (i32, i32) {
    %c0_i32 = arith.constant 0 : i32
    %c0_i32_0 = arith.constant 0 : i32
    return %c0_i32, %arg0 : i32, i32
  }
  func.func @transform_1(%arg0: i32) -> (i32, i32) {
    %c0_i32 = arith.constant 0 : i32
    %c0_i32_0 = arith.constant 0 : i32
    return %arg0, %c0_i32 : i32, i32
  }
  func.func @transform_2(%arg0: i32) -> (i32, i32) {
    %c0_i32 = arith.constant 0 : i32
    %c0_i32_0 = arith.constant 0 : i32
    %c0_i32_1 = arith.constant 0 : i32
    return %c0_i32, %c0_i32_0 : i32, i32
  }
  func.func @transform_3(%arg0: i32) -> (i32, i32) {
    %c0_i32 = arith.constant 0 : i32
    %c0_i32_0 = arith.constant 0 : i32
    return %arg0, %c0_i32 : i32, i32
  }
  func.func @transform_4(%arg0: i32) -> i32 {
    %c0_i32 = arith.constant 0 : i32
    return %arg0 : i32
  }
}

module attributes {stable_mosaic.version = 14 : i64} {
  func.func @_tc2_body(%arg0: i32, %arg1: memref<2x2048x64xf32, #tpu.memory_space<vmem>>, %arg2: memref<2048x64xf32, #tpu.memory_space<vmem>>, %arg3: memref<2048xf32, #tpu.memory_space<vmem>>, %arg4: memref<64x48xf32, #tpu.memory_space<vmem>>, %arg5: memref<1x64xf32, #tpu.memory_space<vmem>>, %arg6: memref<2048x48xf32, #tpu.memory_space<vmem>>) attributes {dimension_semantics = [#tpu.dimension_semantics<arbitrary>], iteration_bounds = array<i64: 5>, scalar_prefetch = 0 : i64, scratch_operands = 0 : i64, tpu.core_type = #tpu.core_type<tc>, window_params = [{transform_indices = @transform_0, window_bounds = array<i64: 2, 2048, 64>}, {transform_indices = @transform_1, window_bounds = array<i64: 2048, 64>}, {transform_indices = @transform_2, window_bounds = array<i64: 2048>}, {pipeline_mode = #tpu.pipeline_mode<synchronous>, transform_indices = @transform_3, window_bounds = array<i64: 64, 48>}, {pipeline_mode = #tpu.pipeline_mode<synchronous>, transform_indices = @transform_4, window_bounds = array<i64: 1, 64>}, {transform_indices = @transform_5, window_bounds = array<i64: 2048, 48>}]} {
    %get3A = arith.constant 0 : index
    %get3A_0 = vector.load %arg3[%get3A] : memref<2048xf32, #tpu.memory_space<vmem>>, vector<2048xf32>
    %get3A_1 = arith.constant 0 : index
    %get3A_2 = arith.constant 0 : index
    %get3A_3 = arith.constant 0 : index
    %get3A_4 = vector.load %arg1[%get3A_1, %get3A_2, %get3A_3] : memref<2x2048x64xf32, #tpu.memory_space<vmem>>, vector<1x2048x64xf32>
    %get3A_5 = vector.shape_cast %get3A_4 : vector<1x2048x64xf32> to vector<2048x64xf32>
    %get3A_6 = arith.constant 1 : index
    %get3A_7 = arith.constant 0 : index
    %get3A_8 = arith.constant 0 : index
    %get3A_9 = vector.load %arg1[%get3A_6, %get3A_7, %get3A_8] : memref<2x2048x64xf32, #tpu.memory_space<vmem>>, vector<1x2048x64xf32>
    %get3A_10 = vector.shape_cast %get3A_9 : vector<1x2048x64xf32> to vector<2048x64xf32>
    %add3A = arith.addf %get3A_5, %get3A_10 : vector<2048x64xf32>
    %get3A_11 = arith.constant 0 : index
    %get3A_12 = arith.constant 0 : index
    %get3A_13 = vector.load %arg2[%get3A_11, %get3A_12] : memref<2048x64xf32, #tpu.memory_space<vmem>>, vector<2048x64xf32>
    %add3A_14 = arith.addf %add3A, %get3A_13 : vector<2048x64xf32>
    %broadcast_in_dim3A = vector.shape_cast %get3A_0 : vector<2048xf32> to vector<2048x1xf32>
    %mul3A = vector.broadcast %broadcast_in_dim3A : vector<2048x1xf32> to vector<2048x64xf32>
    %mul3A_15 = arith.mulf %add3A_14, %mul3A : vector<2048x64xf32>
    %get3A_16 = arith.constant 0 : index
    %get3A_17 = arith.constant 0 : index
    %get3A_18 = vector.load %arg5[%get3A_16, %get3A_17] : memref<1x64xf32, #tpu.memory_space<vmem>>, vector<1x64xf32>
    %add3A_19 = vector.broadcast %get3A_18 : vector<1x64xf32> to vector<2048x64xf32>
    %add3A_20 = arith.addf %mul3A_15, %add3A_19 : vector<2048x64xf32>
    %max3A = arith.constant 0.000000e+00 : f32
    %max3A_21 = vector.broadcast %max3A : f32 to vector<2048x64xf32>
    %max3A_22 = arith.maximumf %add3A_20, %max3A_21 : vector<2048x64xf32>
    %get3A_23 = arith.constant 0 : index
    %get3A_24 = arith.constant 0 : index
    %get3A_25 = vector.load %arg4[%get3A_23, %get3A_24] : memref<64x48xf32, #tpu.memory_space<vmem>>, vector<64x48xf32>
    %dot_general3A = arith.constant dense<0.000000e+00> : vector<2048x48xf32>
    %dot_general3A_26 = tpu.matmul %max3A_22, %get3A_25, %dot_general3A {dimension_numbers = #tpu.dot_dimension_numbers<[1], [0], [0], [1], [0, 0, 1, 1], [], []>, transpose_lhs_hint = false} : vector<2048x64xf32>, vector<64x48xf32>, vector<2048x48xf32> -> vector<2048x48xf32>
    %broadcast_in_dim3A_27 = vector.shape_cast %get3A_0 : vector<2048xf32> to vector<2048x1xf32>
    %mul3A_28 = vector.broadcast %broadcast_in_dim3A_27 : vector<2048x1xf32> to vector<2048x48xf32>
    %mul3A_29 = arith.mulf %dot_general3A_26, %mul3A_28 : vector<2048x48xf32>
    %swap3A = arith.constant 0 : index
    %swap3A_30 = arith.constant 0 : index
    %swap3A_31 = vector.load %arg6[%swap3A, %swap3A_30] : memref<2048x48xf32, #tpu.memory_space<vmem>>, vector<2048x48xf32>
    tpu.vector_store %arg6[%swap3A, %swap3A_30], %mul3A_29 {strides = array<i32>} : memref<2048x48xf32, #tpu.memory_space<vmem>>, vector<2048x48xf32>,
    return
  }
  func.func @transform_0(%arg0: i32) -> (i32, i32, i32) {
    %c0_i32 = arith.constant 0 : i32
    %c0_i32_0 = arith.constant 0 : i32
    %c0_i32_1 = arith.constant 0 : i32
    return %c0_i32, %arg0, %c0_i32_0 : i32, i32, i32
  }
  func.func @transform_1(%arg0: i32) -> (i32, i32) {
    %c0_i32 = arith.constant 0 : i32
    %c0_i32_0 = arith.constant 0 : i32
    return %arg0, %c0_i32 : i32, i32
  }
  func.func @transform_2(%arg0: i32) -> i32 {
    %c0_i32 = arith.constant 0 : i32
    return %arg0 : i32
  }
  func.func @transform_3(%arg0: i32) -> (i32, i32) {
    %c0_i32 = arith.constant 0 : i32
    %c0_i32_0 = arith.constant 0 : i32
    %c0_i32_1 = arith.constant 0 : i32
    return %c0_i32, %c0_i32_0 : i32, i32
  }
  func.func @transform_4(%arg0: i32) -> (i32, i32) {
    %c0_i32 = arith.constant 0 : i32
    %c0_i32_0 = arith.constant 0 : i32
    %c0_i32_1 = arith.constant 0 : i32
    return %c0_i32, %c0_i32_0 : i32, i32
  }
  func.func @transform_5(%arg0: i32) -> (i32, i32) {
    %c0_i32 = arith.constant 0 : i32
    %c0_i32_0 = arith.constant 0 : i32
    return %arg0, %c0_i32 : i32, i32
  }
}

module attributes {stable_mosaic.version = 14 : i64} {
  func.func @_tc3_body(%arg0: i32, %arg1: memref<2x2048x48xf32, #tpu.memory_space<vmem>>, %arg2: memref<2048x48xf32, #tpu.memory_space<vmem>>, %arg3: memref<2048xf32, #tpu.memory_space<vmem>>, %arg4: memref<1x48xf32, #tpu.memory_space<vmem>>, %arg5: memref<2048x48xf32, #tpu.memory_space<vmem>>) attributes {dimension_semantics = [#tpu.dimension_semantics<arbitrary>], iteration_bounds = array<i64: 5>, scalar_prefetch = 0 : i64, scratch_operands = 0 : i64, tpu.core_type = #tpu.core_type<tc>, window_params = [{transform_indices = @transform_0, window_bounds = array<i64: 2, 2048, 48>}, {transform_indices = @transform_1, window_bounds = array<i64: 2048, 48>}, {transform_indices = @transform_2, window_bounds = array<i64: 2048>}, {pipeline_mode = #tpu.pipeline_mode<synchronous>, transform_indices = @transform_3, window_bounds = array<i64: 1, 48>}, {transform_indices = @transform_4, window_bounds = array<i64: 2048, 48>}]} {
    %get3A = arith.constant 0 : index
    %get3A_0 = vector.load %arg3[%get3A] : memref<2048xf32, #tpu.memory_space<vmem>>, vector<2048xf32>
    %get3A_1 = arith.constant 0 : index
    %get3A_2 = arith.constant 0 : index
    %get3A_3 = arith.constant 0 : index
    %get3A_4 = vector.load %arg1[%get3A_1, %get3A_2, %get3A_3] : memref<2x2048x48xf32, #tpu.memory_space<vmem>>, vector<1x2048x48xf32>
    %get3A_5 = vector.shape_cast %get3A_4 : vector<1x2048x48xf32> to vector<2048x48xf32>
    %get3A_6 = arith.constant 1 : index
    %get3A_7 = arith.constant 0 : index
    %get3A_8 = arith.constant 0 : index
    %get3A_9 = vector.load %arg1[%get3A_6, %get3A_7, %get3A_8] : memref<2x2048x48xf32, #tpu.memory_space<vmem>>, vector<1x2048x48xf32>
    %get3A_10 = vector.shape_cast %get3A_9 : vector<1x2048x48xf32> to vector<2048x48xf32>
    %add3A = arith.addf %get3A_5, %get3A_10 : vector<2048x48xf32>
    %get3A_11 = arith.constant 0 : index
    %get3A_12 = arith.constant 0 : index
    %get3A_13 = vector.load %arg2[%get3A_11, %get3A_12] : memref<2048x48xf32, #tpu.memory_space<vmem>>, vector<2048x48xf32>
    %add3A_14 = arith.addf %add3A, %get3A_13 : vector<2048x48xf32>
    %broadcast_in_dim3A = vector.shape_cast %get3A_0 : vector<2048xf32> to vector<2048x1xf32>
    %mul3A = vector.broadcast %broadcast_in_dim3A : vector<2048x1xf32> to vector<2048x48xf32>
    %mul3A_15 = arith.mulf %add3A_14, %mul3A : vector<2048x48xf32>
    %get3A_16 = arith.constant 0 : index
    %get3A_17 = arith.constant 0 : index
    %get3A_18 = vector.load %arg4[%get3A_16, %get3A_17] : memref<1x48xf32, #tpu.memory_space<vmem>>, vector<1x48xf32>
    %add3A_19 = vector.broadcast %get3A_18 : vector<1x48xf32> to vector<2048x48xf32>
    %add3A_20 = arith.addf %mul3A_15, %add3A_19 : vector<2048x48xf32>
    %iota3A = tpu.iota {dimensions = array<i32: 1>} : vector<2048x48xi32>
    %lt3A = arith.constant 40 : i32
    %lt3A_21 = vector.broadcast %lt3A : i32 to vector<2048x48xi32>
    %lt3A_22 = arith.cmpi slt, %iota3A, %lt3A_21 : vector<2048x48xi32>
    %jit3A = arith.constant -1.000000e+30 : f32
    %broadcast_in_dim3A_23 = vector.broadcast %jit3A : f32 to vector<2048x48xf32>
    %select_n3A = arith.select %lt3A_22, %add3A_20, %broadcast_in_dim3A_23 : vector<2048x48xi1>, vector<2048x48xf32>
    %reduce_max3A = arith.constant dense<0xFF800000> : vector<2048xf32>
    %reduce_max3A_24 = vector.multi_reduction <maximumf>, %select_n3A, %reduce_max3A [1] : vector<2048x48xf32> to vector<2048xf32>
    %broadcast_in_dim3A_25 = vector.shape_cast %reduce_max3A_24 : vector<2048xf32> to vector<2048x1xf32>
    %sub3A = vector.broadcast %broadcast_in_dim3A_25 : vector<2048x1xf32> to vector<2048x48xf32>
    %sub3A_26 = arith.subf %select_n3A, %sub3A : vector<2048x48xf32>
    %exp3A = math.exp %sub3A_26 : vector<2048x48xf32>
    %reduce_sum3A = arith.constant dense<0.000000e+00> : vector<2048xf32>
    %reduce_sum3A_27 = vector.multi_reduction <add>, %exp3A, %reduce_sum3A [1] : vector<2048x48xf32> to vector<2048xf32>
    %broadcast_in_dim3A_28 = vector.shape_cast %reduce_sum3A_27 : vector<2048xf32> to vector<2048x1xf32>
    %log3A = math.log %broadcast_in_dim3A_28 : vector<2048x1xf32>
    %sub3A_29 = vector.broadcast %broadcast_in_dim3A_25 : vector<2048x1xf32> to vector<2048x48xf32>
    %sub3A_30 = arith.subf %select_n3A, %sub3A_29 : vector<2048x48xf32>
    %sub3A_31 = vector.broadcast %log3A : vector<2048x1xf32> to vector<2048x48xf32>
    %sub3A_32 = arith.subf %sub3A_30, %sub3A_31 : vector<2048x48xf32>
    %swap3A = arith.constant 0 : index
    %swap3A_33 = arith.constant 0 : index
    %swap3A_34 = vector.load %arg5[%swap3A, %swap3A_33] : memref<2048x48xf32, #tpu.memory_space<vmem>>, vector<2048x48xf32>
    tpu.vector_store %arg5[%swap3A, %swap3A_33], %sub3A_32 {strides = array<i32>} : memref<2048x48xf32, #tpu.memory_space<vmem>>, vector<2048x48xf32>,
    return
  }
  func.func @transform_0(%arg0: i32) -> (i32, i32, i32) {
    %c0_i32 = arith.constant 0 : i32
    %c0_i32_0 = arith.constant 0 : i32
    %c0_i32_1 = arith.constant 0 : i32
    return %c0_i32, %arg0, %c0_i32_0 : i32, i32, i32
  }
  func.func @transform_1(%arg0: i32) -> (i32, i32) {
    %c0_i32 = arith.constant 0 : i32
    %c0_i32_0 = arith.constant 0 : i32
    return %arg0, %c0_i32 : i32, i32
  }
  func.func @transform_2(%arg0: i32) -> i32 {
    %c0_i32 = arith.constant 0 : i32
    return %arg0 : i32
  }
  func.func @transform_3(%arg0: i32) -> (i32, i32) {
    %c0_i32 = arith.constant 0 : i32
    %c0_i32_0 = arith.constant 0 : i32
    %c0_i32_1 = arith.constant 0 : i32
    return %c0_i32, %c0_i32_0 : i32, i32
  }
  func.func @transform_4(%arg0: i32) -> (i32, i32) {
    %c0_i32 = arith.constant 0 : i32
    %c0_i32_0 = arith.constant 0 : i32
    return %arg0, %c0_i32 : i32, i32
  }
}

</mosaic_0001>

<sc_bundles>
// kernel: kernel.11.cloned.1.call-start
scs
__scs_entry_jumppad:
0x0: {  	(pc) =	sbr.rel $0x88, $3  }
0x1: {  	(tag) =	ssettag $0x0;
	lr =	simm.s32 $0x1  }
0x2: {  	[smem:$0x3F9B] =	sst lr;
	_ =	strace $0xD0000000  }
0x3: {  	_ = 	snop  }
0x4: {  	_ = 	snop  }
0x5: {  	_ = 	snop  }
0x6: {  	_ = 	snop  }
0x7: {  	_ = 	snop  }
__scs_overlays_trampoline_lowered:
0x8: {  	[smem:$0x3FAA] =	sst s0  }
0x9: {  	[smem:$0x3FAB] =	sst s1  }
0xa: {  	[smem:$0x3FAC] =	sst s2  }
0xb: {  	[smem:$0x3FAD] =	sst s3  }
0xc: {  	[smem:$0x3FAE] =	sst s4  }
0xd: {  	[smem:$0x3FAF] =	sst s5  }
0xe: {  	[smem:$0x3FB0] =	sst s6  }
0xf: {  	[smem:$0x3FB1] =	sst s7  }
0x10: {  	[smem:$0x3FB2] =	sst s8  }
0x11: {  	[smem:$0x3FB3] =	sst s9;
	s0 =	simm.s32 @!p0 $0x0  }
0x12: {  	s1 =	sld [smem:$0x3F99];
	s0 =	simm.s32 @p0 $0x1  }
0x13: {  	[smem:$0x3FB4] =	sst s0;
	s0 =	simm.s32 @!p1 $0x0  }
0x14: {  	s2 =	sld [smem:$0x3F98];
	s0 =	simm.s32 @p1 $0x1  }
0x15: {  	[smem:$0x3FB5] =	sst s0;
	s0 =	simm.s32 @!p2 $0x0  }
0x16: {  	s3 =	sld [smem:$0x3FDB];
	s0 =	simm.s32 @p2 $0x1  }
0x17: {  	s4 =	simm.s32 $0x1BF5;
	[smem:$0x3FB7] =	sst s0  }
0x18: {  	s0 =	sld [smem:$0x3F9A];
	_ =	swait.ge [sflag:s4], $0x0  }
0x19: {  	s7 =	sld [smem:$0x3F9B]  }
0x1a: {  	s8 =	sadd.s32 $0xFFFFE003, lr  }
0x1b: {  	s9 =	sadd.s32 $0xFFFFFEF7, lr;
	s5 =	simm.s32 $0xFFFFFFFF;
	p2 =	slt.u32 s8, $0xFFFFF086  }
0x1c: {  	p1 =	slt.u32 s9, $0xF7A;
	s5 =	simm.s32 @!p2 $0x0  }
0x1d: {  	s5 =	simm.s32 @p1 $0x1;
	p0 =	seq.s32 s7, s2  }
0x1e: {  	s7 =	smul.u32 @!p0 $0xF7A, s2;
	p2 =	seq.s32 @!p0 s5, $0x0  }
0x1f: {  	s9 =	smul.u32 $0xF7A, s1;
	s8 =	simm.s32 @!p0 $0x1BF5;
	p2 =	por !p2, p0  }
0x20: {  	[sflag:s8] =	ssyncset.s32 @!p0 $0xFFFFF086;
	s6 =	sadd.s32 @!p0 s3, s7;
	s7 =	simm.s32 @!p0 $0x108  }
0x21: {  	s3 =	sadd.s32 s3, s9;
	s6 =	sadd.s32 @!p0 $0x88, s6;
	s7 =	simm.s32 @p2 $0x1082  }
0x22: {  	[simem:s7], [sflag:s8] =	dma.local @!p0 [hbm:s6], $0xF7A  }
0x23: {  	s9 =	sor.u32 $0xD0000000, s2;
	s6 =	simm.s32 $0x108;
	_ =	swait.ge @!p0 [sflag:s8], $0x0  }
0x24: {  	s3 =	sadd.s32 $0x88, s3;
	s6 =	simm.s32 @!p1 $0x1082;
	[sflag:s4] =	ssyncset.s32 $0xFFFFF086  }
0x25: {  	[simem:s6], [sflag:s4] =	dma.local [hbm:s3], $0xF7A  }
0x26: {  	[smem:$0x3F9B] =	sst s1;
	(tag) =	ssettag s2;
	_ =	strace s9  }
0x27: {  	s1 =	sld [smem:$0x3FAB]  }
0x28: {  	s2 =	sld [smem:$0x3FAC]  }
0x29: {  	s4 =	sld [smem:$0x3FAE]  }
0x2a: {  	p0 =	seq.s32 s5, $0x0;
	s5 =	sld [smem:$0x3FAF]  }
0x2b: {  	s6 =	sld [smem:$0x3FB0]  }
0x2c: {  	s7 =	sld [smem:$0x3FB1]  }
0x2d: {  	s3 =	simm.s32 $0x108;
	s8 =	sld [smem:$0x3FB2]  }
0x2e: {  	s3 =	simm.s32 @!p0 $0x1082;
	s9 =	sld [smem:$0x3FB3]  }
0x2f: {  	lr =	sadd.s32 s0, s3;
	s0 =	sld [smem:$0x3FAA]  }
0x30: {  	s3 =	sld [smem:$0x3FAD]  }
0x31: {  	[smem:$0x3FB6] =	sst s10  }
0x32: {  	s10 =	sld [smem:$0x3FB4];
	_ =	sdelay $0x3  }
0x33: {  	p0 =	seq.s32 s10, $0x1;
	s10 =	sld [smem:$0x3FB6];
	_ =	sdelay $0x3  }
0x34: {  	[smem:$0x3FB6] =	sst s10  }
0x35: {  	s10 =	sld [smem:$0x3FB5];
	_ =	sdelay $0x3  }
0x36: {  	p1 =	seq.s32 s10, $0x1;
	s10 =	sld [smem:$0x3FB6];
	_ =	sdelay $0x3  }
0x37: {  	[smem:$0x3FB6] =	sst s10  }
0x38: {  	s10 =	sld [smem:$0x3FB7]  }
0x39: {  	_ = 	snop;
	(pc) =	sbr.ind lr, $3  }
0x3a: {  	_ = 	snop  }
0x3b: {  	_ = 	snop  }
0x3c: {  	p2 =	seq.s32 s10, $0x1;
	s10 =	sld [smem:$0x3FB6]  }
0x3d: {  	_ =	shalt  }
0x3e: {  	_ =	shalt  }
0x3f: {  	_ =	shalt  }
0x40: {  	_ =	shalt  }
0x41: {  	_ =	shalt  }
0x42: {  	_ =	shalt  }
0x43: {  	_ =	shalt  }
0x44: {  	_ =	shalt  }
0x45: {  	_ =	shalt  }
0x46: {  	_ =	shalt  }
0x47: {  	_ =	shalt  }
0x48: {  	_ =	shalt  }
0x49: {  	_ =	shalt  }
0x4a: {  	_ =	shalt  }
0x4b: {  	_ =	shalt  }
0x4c: {  	_ =	shalt  }
0x4d: {  	_ =	shalt  }
0x4e: {  	_ =	shalt  }
0x4f: {  	_ =	shalt  }
0x50: {  	_ =	shalt  }
0x51: {  	_ =	shalt  }
0x52: {  	_ =	shalt  }
0x53: {  	_ =	shalt  }
0x54: {  	_ =	shalt  }
0x55: {  	_ =	shalt  }
0x56: {  	_ =	shalt  }
0x57: {  	_ =	shalt  }
0x58: {  	_ =	shalt  }
0x59: {  	_ =	shalt  }
0x5a: {  	_ =	shalt  }
0x5b: {  	_ =	shalt  }
0x5c: {  	_ =	shalt  }
0x5d: {  	_ =	shalt  }
0x5e: {  	_ =	shalt  }
0x5f: {  	_ =	shalt  }
0x60: {  	_ =	shalt  }
0x61: {  	_ =	shalt  }
0x62: {  	_ =	shalt  }
0x63: {  	_ =	shalt  }
0x64: {  	_ =	shalt  }
0x65: {  	_ =	shalt  }
0x66: {  	_ =	shalt  }
0x67: {  	_ =	shalt  }
0x68: {  	_ =	shalt  }
0x69: {  	_ =	shalt  }
0x6a: {  	_ =	shalt  }
0x6b: {  	_ =	shalt  }
0x6c: {  	_ =	shalt  }
0x6d: {  	_ =	shalt  }
0x6e: {  	_ =	shalt  }
0x6f: {  	_ =	shalt  }
0x70: {  	_ =	shalt  }
0x71: {  	_ =	shalt  }
0x72: {  	_ =	shalt  }
0x73: {  	_ =	shalt  }
0x74: {  	_ =	shalt  }
0x75: {  	_ =	shalt  }
0x76: {  	_ =	shalt  }
0x77: {  	_ =	shalt  }
0x78: {  	_ =	shalt  }
0x79: {  	_ =	shalt  }
0x7a: {  	_ =	shalt  }
0x7b: {  	_ =	shalt  }
0x7c: {  	_ =	shalt  }
0x7d: {  	_ =	shalt  }
0x7e: {  	_ =	shalt  }
0x7f: {  	_ =	shalt  }
0x80: {  	_ =	shalt  }
0x81: {  	_ =	shalt  }
0x82: {  	_ =	shalt  }
0x83: {  	_ =	shalt  }
0x84: {  	_ =	shalt  }
0x85: {  	_ =	shalt  }
0x86: {  	_ =	shalt  }
0x87: {  	_ =	shalt  }
.Lfunc_end0:
.L_simem_size_0:
called_computation.1_lowered:
.L_overlay_start_0:
0x88: {  	s2 =	sld [smem:$0x3FD9]  }
0x89: {  	s3 =	sld [smem:$0x3FFE];
	_ =	sdelay $0x1  }
0x8a: {  	s1 =	srdreg.scid  }
0x8b: {  	s0 =	sand.u32 $0x1, s1  }
0x8c: {  	s16 =	sshll.u32 s0, $0xA;
	s2 =	sadd.s32 s3, s2  }
0x8d: {  	s2 =	sadd.s32 s2, s16  }
0x8e: {  	[smem:$0x3FC2] =	sst s2  }
0x8f: {  	_ = 	snop  }
0x90: {  	(tm) =	ssettm $0x1  }
0x91: {  	s17 =	sld [smem:$0x3FFB];
	_ =	sdelay $0x3  }
0x92: {  	_ =	strace s17  }
0x93: {  	s2 =	sld [smem:$0x3FFC];
	_ =	sdelay $0x3  }
0x94: {  	_ =	strace s2  }
0x95: {  	s2 =	sld [smem:$0x3FFD];
	_ =	sdelay $0x3  }
0x96: {  	_ =	strace s2  }
0x97: {  	_ =	strace $0x8FFFFFFF  }
0x98: {  	s18 =	sld [smem:$0x3FDB];
	_ =	sdelay $0x1  }
0x99: {  	s19 =	simm.s32 $_scs_section_size  }
0x9a: {  	s4 =	simm.s32 $_size__tile_overlayer_lowered;
	s5 =	simm.s32 $_tile_overlayer_lowered  }
0x9b: {  	s22 =	simm.s32 $0x1BFF;
	s21 =	sshll.u32 s5, $0x1;
	s2 =	sadd.s32 s19, s18  }
0x9c: {  	s6 =	simm.s32 $0x0;
	s20 =	sshll.u32 s4, $0x1;
	s4 =	sadd.s32 s21, s2  }
0x9d: {  	[timem:s6], [sflag:s22] =	dma.local [hbm:s4], s20  }
0x9e: {  	_ =	swait.ge [sflag:s22], s20  }
0x9f: {  	s3 =	ssub.s32 $0x0, s20;
	[sflag:s22] =	ssyncset.done $0x0  }
0xa0: {  	[sflag:s22] =	ssyncadd.s32 s3;
	_ =	sdelay $0x1  }
0xa1: {  	s23 =	simm.s32 $0x1B8B  }
0xa2: {  	_ =	swait.ge [sflag:s23], $0x1  }
0xa3: {  	[sflag:s23] =	ssyncset.done $0x0  }
0xa4: {  	s25 =	simm.s32 $0x1B8E;
	s24 =	sld [smem:$0x3FFE];
	[sflag:s23] =	ssyncadd.s32 $0xFFFFFFFF  }
0xa5: {  	s26 =	simm.s32 $execute0_lowered;
	[smem:$0x3FD2] =	sst s25  }
0xa6: {  	s4 =	sshll.u32 s26, $0x1;
	_ =	strace $0x80000049;
	[dreg:$0x1] =	wrdreg $0xFFFFFFFF  }
0xa7: {  	s28 =	simm.s32 $_size_execute0_lowered;
	s2 =	sadd.s32 s2, s4;
	[dreg:$0x0] =	wrdreg $0x0  }
0xa8: {  	s4 =	sshll.u32 s28, $0x1;
	[dreg:$0x2] =	wrdreg s2  }
0xa9: {  	[dreg:$0x3] =	wrdreg s4  }
0xaa: {  	[dreg:$0x4] =	wrdreg $0xC0  }
0xab: {  	_ =	task [dreg:s6], $0x5FFFF  }
0xac: {  	[dreg:$0x1] =	wrdreg $0xFFFFFFFF  }
0xad: {  	[dreg:$0x0] =	wrdreg $0x60  }
0xae: {  	[dreg:$0x2] =	wrdreg s24  }
0xaf: {  	[dreg:$0x3] =	wrdreg $0xAF000  }
0xb0: {  	[dreg:$0x4] =	wrdreg $0x9  }
0xb1: {  	_ =	task.clear_ibuf [dreg:s6], $0x5FFFF;
	_ =	strace $0x90000049  }
0xb2: {  	s29 =	simm.s32 $0x9;
	_ =	strace $0x8000004B  }
0xb3: {  	_ =	swait.ge [sflag:s29], $0x1  }
0xb4: {  	[sflag:s29] =	ssyncadd.s32 $0xFFFFFFFF  }
0xb5: {  	_ =	strace $0x9000004B  }
0xb6: {  	_ =	sfence  }
0xb7: {  	s30 =	sld [smem:$0x0];
	_ =	sdelay $0x2  }
0xb8: {  	s31 =	sshll.u32 s1, $0xD;
	s1 =	sshrl.u32 s1, $0x2  }
0xb9: {  	s3 =	sand.u32 $0x4000, s31;
	s1 =	sadd.s32 s1, s30  }
0xba: {  	s0 =	sor.u32 s3, s0;
	s1 =	sshll.u32 s1, $0x11  }
0xbb: {  	s0 =	sor.u32 s1, s0  }
0xbc: {  	s0 =	sadd.s32 $0x8F2B, s0  }
0xbd: {  	[sflag:s0] =	ssyncadd.remote.s32 $0x1  }
0xbe: {  	_ =	sfence.sel $0xFFFF  }
0xbf: {  	[dreg:$0x0] =	wrdreg $0xFFFFFFFF;
	(pc) =	sbr.abs _section_cstart, $3  }
0xc0: {  	[dreg:$0x1] =	wrdreg $0xFFFFFFFF  }
0xc1: {  	_ =	task.clear_ibuf [dreg:s6], $0x2FFFF;
	_ =	strace $0x9FFFFFFF  }
0xc2: {  	(tm) =	ssettm $0x7FFFFFFF  }
0xc3: {  	_ =	shalt  }
tec
execute0_lowered:
.L_overlay_start_1:
0x0: {  	(tag) =	ssettag $0x1  }
0x1: {  	s1 =	srdreg.scid;
	s5 =	rddreg [dreg:$0x0]  }
0x2: {  	s0 =	stileid.u32;
	s2 =	rddreg [dreg:$0x1]  }
0x3: {  	s3 =	simm.s32 $0x0;
	s14 =	simm.s32 $0x2780;
	s15 =	simm.s32 $0x8F00  }
0x4: {  	s16 =	simm.s32 $0x4;
	s17 =	simm.s32 $0x3;
	s18 =	simm.s32 $0x80  }
0x5: {  	s19 =	simm.s32 $0x4F00;
	s20 =	simm.s32 $0x6F00;
	s21 =	simm.s32 $0x1  }
0x6: {  	s22 =	simm.s32 $0x2;
	s23 =	simm.s32 $0x4E80;
	s25 =	simm.s32 $0x0  }
0x7: {  	s4 =	sand.u32 $0x1, s1;
	s29 =	sshll.u32 s0, $0x1;
	s9 =	smul.u32 $0xA000, s0  }
0x8: {  	[smem:$0x7FF] =	sst s3;
	s10 =	smul.u32 $0x28000, s0;
	s1 =	sor.u32 s4, s29  }
0x9: {  	s7 =	smul.u32 $0xA0000, s4;
	s8 =	ssub.s32 $0x2, s4;
	s4 =	sadd.s32 $0x14C00, s5  }
0xa: {  	s6 =	smul.u32 $0x4F0, s1;
	s1 =	rddreg [dreg:$0x2];
	_ =	strace $0x8000004A  }
0xb: {  	s30 =	sshrl.u32 s8, $0x1;
	s31 =	sshrl.u32 s10, $0x2;
	s24 =	sadd.s32 s9, s2  }
0xc: {  	s7 =	sadd.s32 s9, s7;
	s12 =	ssub.s32 s8, s30;
	s24 =	sshrl.u32 s24, $0x3  }
0xd: {  	s6 =	sadd.s32 s6, s5;
	s7 =	sshrl.u32 s7, $0x3;
	s9 =	smax.u32 s12, $0x1  }
0xe: {  	s11 =	sadd.s32 s7, s5;
	s5 =	sadd.s32 $0xAE00, s6;
	s7 =	sadd.s32 s31, s2  }
0xf: {  	s6 =	sadd.s32 $0x1000, s6;
	s8 =	sadd.s32 $0x28C00, s11;
	s10 =	sadd.s32 $0x2000, s7  }
0x10: {  	v0 =	vimm.f32 $0.0e+00;
	s11 =	sadd.s32 $0x4000, s7;
	s12 =	sadd.s32 $0x6000, s7;
	s13 =	sadd.s32 $0x8000, s7  }
.LBB2_1:
0x11: {  	[tilespmem:s3], [sflag:$0x3] =	stream.linear.gather [hbm4b:s5+s3], $0x2780, $0x38;
	[tilespmem:$0x14F00] =	vst v63  }
0x12: {  	s26 =	sand.u32 $0x7F00, s3  }
0x13: {  	s28 =	sand.u32 $0x30, s3;
	s29 =	sshrl.u32 s26, $0x2  }
0x14: {  	[tilespmem:s14], [sflag:$0x3] =	stream.linear.gather [hbm4b:s6+s3], $0x2780, $0x38;
	[tilespmem:$0x14F00] =	vst v63  }
0x15: {  	s26 =	simm.s32 $0x40;
	s29 =	sor.u32 s28, s29;
	s28 =	simm.s32 $0x0  }
.LBB2_2:
0x16: {  	p0 =	sne.s32 s26, $0x7FC0  }
0x17: {  	[tilespmem:s29+$0x8F00] =	vst v0;
	s28 =	sadd.s32 $0x10, s28;
	s29 =	smov.u32 s26;
	s26 =	sadd.s32 $0x40, s26  }
.Ltmp0:
0x18: {  	(pc) =	sbr.rel @p0 .LBB2_2-.Ltmp0, $4  }
0x19: {  	_ = 	snop  }
0x1a: {  	s29 =	sand.u32 $0x7F00, s29  }
0x1b: {  	s30 =	sand.u32 $0x30, s28;
	s29 =	sshrl.u32 s29, $0x2  }
0x1c: {  	s29 =	sor.u32 s30, s29  }
0x1d: {  	[tilespmem:s29+$0x8F00] =	vst v0  }
0x1e: {  	[spmem:s7] =	stream.linear.scatter [tilespmem:s15], [sflag:$0x4], $0x2000, $0x38;
	[tilespmem:$0x14F00] =	vst v63  }
0x1f: {  	_ =	swait.ge [sflag:s16], $0x2000  }
0x20: {  	[sflag:s16] =	ssyncset.done $0x0  }
0x21: {  	[sflag:s16] =	ssyncadd.s32 $0xFFFFE000  }
0x22: {  	[spmem:s10] =	stream.linear.scatter [tilespmem:s15], [sflag:$0x4], $0x2000, $0x38;
	[tilespmem:$0x14F00] =	vst v63  }
0x23: {  	_ =	swait.ge [sflag:s16], $0x2000  }
0x24: {  	[sflag:s16] =	ssyncset.done $0x0  }
0x25: {  	[sflag:s16] =	ssyncadd.s32 $0xFFFFE000  }
0x26: {  	[spmem:s11] =	stream.linear.scatter [tilespmem:s15], [sflag:$0x4], $0x2000, $0x38;
	[tilespmem:$0x14F00] =	vst v63  }
0x27: {  	_ =	swait.ge [sflag:s16], $0x2000  }
0x28: {  	[sflag:s16] =	ssyncset.done $0x0  }
0x29: {  	[sflag:s16] =	ssyncadd.s32 $0xFFFFE000  }
0x2a: {  	[spmem:s12] =	stream.linear.scatter [tilespmem:s15], [sflag:$0x4], $0x2000, $0x38;
	[tilespmem:$0x14F00] =	vst v63  }
0x2b: {  	_ =	swait.ge [sflag:s16], $0x2000  }
0x2c: {  	[sflag:s16] =	ssyncset.done $0x0  }
0x2d: {  	[sflag:s16] =	ssyncadd.s32 $0xFFFFE000  }
0x2e: {  	[spmem:s13] =	stream.linear.scatter [tilespmem:s15], [sflag:$0x4], $0x2000, $0x38;
	[tilespmem:$0x14F00] =	vst v63  }
0x2f: {  	_ =	swait.ge [sflag:s16], $0x2000  }
0x30: {  	[sflag:s16] =	ssyncset.done $0x0  }
0x31: {  	[sflag:s16] =	ssyncadd.s32 $0xFFFFE000  }
0x32: {  	_ =	swait.ge [sflag:s17], $0x2780  }
0x33: {  	[sflag:s17] =	ssyncset.done $0x0  }
0x34: {  	[sflag:s17] =	ssyncadd.s32 $0xFFFFD880  }
0x35: {  	_ =	swait.ge [sflag:s17], $0x2780  }
0x36: {  	[sflag:s17] =	ssyncset.done $0x0  }
0x37: {  	[sflag:s17] =	ssyncadd.s32 $0xFFFFD880  }
0x38: {  	s26 =	simm.s32 $0x0;
	[bflag:$0x0] =	sbarrier.arrive $0xFFFF  }
0x39: {  	[tilespmem:s19], [sflag:$0x1] =	stream.indirect.gather [hbm4b:s4+s18], $0x40, s26, s18, $0xb8;
	[tilespmem:$0x14F00] =	vst v63  }
0x3a: {  	s31 =	simm.s32 $0x80  }
0x3b: {  	[tilespmem:s20], [sflag:$0x2] =	stream.indirect.gather [hbm4b:s4+s18], $0x40, s31, s18, $0xb8;
	[tilespmem:$0x14F00] =	vst v63  }
0x3c: {  	_ =	swait.ge [sflag:s21], $0x2000  }
0x3d: {  	[sflag:s21] =	ssyncset.done $0x0  }
0x3e: {  	s29 =	simm.s32 $0x2780;
	[sflag:s21] =	ssyncadd.s32 $0xFFFFE000  }
0x3f: {  	[spmem:s2] =	stream.indirect.scatter.add.f32 [tilespmem:s19], [sflag:$0x4], $0x40, s29, s18, $0xb8;
	[tilespmem:$0x14F00] =	vst v63  }
0x40: {  	_ =	swait.ge [sflag:s16], $0x2000  }
0x41: {  	[sflag:s16] =	ssyncset.done $0x0  }
0x42: {  	s30 =	simm.s32 $0x100;
	[sflag:s16] =	ssyncadd.s32 $0xFFFFE000  }
0x43: {  	[tilespmem:s19], [sflag:$0x1] =	stream.indirect.gather [hbm4b:s4+s18], $0x40, s30, s18, $0xb8;
	[tilespmem:$0x14F00] =	vst v63  }
0x44: {  	_ =	swait.ge [sflag:s22], $0x2000  }
0x45: {  	[sflag:s22] =	ssyncset.done $0x0  }
0x46: {  	s31 =	simm.s32 $0x2800;
	[sflag:s22] =	ssyncadd.s32 $0xFFFFE000  }
0x47: {  	[spmem:s2] =	stream.indirect.scatter.add.f32 [tilespmem:s20], [sflag:$0x4], $0x40, s31, s18, $0xb8;
	[tilespmem:$0x14F00] =	vst v63  }
0x48: {  	_ =	swait.ge [sflag:s16], $0x2000  }
0x49: {  	s28 =	simm.s32 $0x800;
	s26 =	simm.s32 $0x100;
	[sflag:s16] =	ssyncset.done $0x0  }
.LBB2_4:
0x4a: {  	s29 =	sadd.s32 $0x80, s26  }
0x4b: {  	[sflag:s16] =	ssyncadd.s32 $0xFFFFE000;
	s30 =	smov.u32 s28;
	s31 =	sadd.s32 $0x400, s28  }
0x4c: {  	[tilespmem:s20], [sflag:$0x2] =	stream.indirect.gather [hbm4b:s4+s18], $0x40, s29, s18, $0xb8;
	[tilespmem:$0x14F00] =	vst v63  }
0x4d: {  	p0 =	sne.s32 s28, $0x9800;
	_ =	swait.ge [sflag:s21], $0x2000  }
0x4e: {  	[sflag:s21] =	ssyncset.done $0x0  }
0x4f: {  	s28 =	sadd.s32 $0x2780, s26;
	[sflag:s21] =	ssyncadd.s32 $0xFFFFE000  }
0x50: {  	[spmem:s2] =	stream.indirect.scatter.add.f32 [tilespmem:s19], [sflag:$0x4], $0x40, s28, s18, $0xb8;
	[tilespmem:$0x14F00] =	vst v63  }
0x51: {  	_ =	swait.ge [sflag:s16], $0x2000  }
0x52: {  	[sflag:s16] =	ssyncset.done $0x0  }
0x53: {  	s28 =	sadd.s32 $0x100, s26;
	[sflag:s16] =	ssyncadd.s32 $0xFFFFE000  }
0x54: {  	[tilespmem:s19], [sflag:$0x1] =	stream.indirect.gather [hbm4b:s4+s18], $0x40, s28, s18, $0xb8;
	[tilespmem:$0x14F00] =	vst v63  }
0x55: {  	_ =	swait.ge [sflag:s22], $0x2000  }
.Ltmp1:
0x56: {  	[sflag:s22] =	ssyncset.done $0x0;
	(pc) =	sbr.rel @p0 .LBB2_4-.Ltmp1, $4  }
0x57: {  	s26 =	sadd.s32 $0x2800, s26;
	[sflag:s22] =	ssyncadd.s32 $0xFFFFE000  }
0x58: {  	[spmem:s2] =	stream.indirect.scatter.add.f32 [tilespmem:s20], [sflag:$0x4], $0x40, s26, s18, $0xb8;
	[tilespmem:$0x14F00] =	vst v63  }
0x59: {  	_ =	swait.ge [sflag:s16], $0x2000  }
0x5a: {  	s28 =	smov.u32 s31;
	s26 =	sshra.s32 s30, $0x2;
	[sflag:s16] =	ssyncset.done $0x0  }
0x5b: {  	s28 =	sadd.s32 $0x80, s26;
	[sflag:s16] =	ssyncadd.s32 $0xFFFFE000  }
0x5c: {  	[tilespmem:s20], [sflag:$0x2] =	stream.indirect.gather [hbm4b:s4+s18], $0x40, s28, s18, $0xb8;
	[tilespmem:$0x14F00] =	vst v63  }
0x5d: {  	_ =	swait.ge [sflag:s21], $0x2000  }
0x5e: {  	[sflag:s21] =	ssyncset.done $0x0  }
0x5f: {  	s31 =	sadd.s32 $0x2780, s26;
	[sflag:s21] =	ssyncadd.s32 $0xFFFFE000  }
0x60: {  	[spmem:s2] =	stream.indirect.scatter.add.f32 [tilespmem:s19], [sflag:$0x4], $0x40, s31, s18, $0xb8;
	[tilespmem:$0x14F00] =	vst v63  }
0x61: {  	_ =	swait.ge [sflag:s16], $0x2000  }
0x62: {  	[sflag:s16] =	ssyncset.done $0x0  }
0x63: {  	s29 =	sadd.s32 $0x100, s26;
	[sflag:s16] =	ssyncadd.s32 $0xFFFFE000  }
0x64: {  	[tilespmem:s19], [sflag:$0x1] =	stream.indirect.gather [hbm4b:s4+s18], $0x40, s29, s18, $0xb8;
	[tilespmem:$0x14F00] =	vst v63  }
0x65: {  	_ =	swait.ge [sflag:s22], $0x2000  }
0x66: {  	[sflag:s22] =	ssyncset.done $0x0  }
0x67: {  	s30 =	sadd.s32 $0x2800, s26;
	[sflag:s22] =	ssyncadd.s32 $0xFFFFE000  }
0x68: {  	[spmem:s2] =	stream.indirect.scatter.add.f32 [tilespmem:s20], [sflag:$0x4], $0x40, s30, s18, $0xb8;
	[tilespmem:$0x14F00] =	vst v63  }
0x69: {  	_ =	swait.ge [sflag:s16], $0x2000  }
0x6a: {  	[sflag:s16] =	ssyncset.done $0x0  }
0x6b: {  	[sflag:s16] =	ssyncadd.s32 $0xFFFFE000  }
0x6c: {  	_ =	swait.ge [sflag:s21], $0x2000  }
0x6d: {  	[sflag:s21] =	ssyncset.done $0x0  }
0x6e: {  	[sflag:s21] =	ssyncadd.s32 $0xFFFFE000  }
0x6f: {  	[spmem:s2] =	stream.indirect.scatter.add.f32 [tilespmem:s19], [sflag:$0x4], $0x40, s23, s18, $0xb8;
	[tilespmem:$0x14F00] =	vst v63  }
0x70: {  	_ =	swait.ge [sflag:s16], $0x2000  }
0x71: {  	s25 =	sadd.s32 $0x1, s25;
	[sflag:s16] =	ssyncset.done $0x0  }
0x72: {  	p0 =	sne.s32 s25, s9;
	s31 =	sshll.u32 s0, $0x6;
	[sflag:s16] =	ssyncadd.s32 $0xFFFFE000  }
.Ltmp2:
0x73: {  	s26 =	sor.u32 $0x1C04, s31;
	[bflag:$0x0] =	sbarrier.arrive $0xFFFF;
	(pc) =	sbr.rel @p0 .LBB2_1-.Ltmp2, $4  }
0x74: {  	[hbm:s8], [sflag:s26] =	dma.local [spmem:s24], $0x1400  }
0x75: {  	_ =	swait.ge [sflag:s16], $0x1400  }
0x76: {  	[sflag:s16] =	ssyncset.done $0x0  }
0x77: {  	[sflag:s16] =	ssyncadd.s32 $0xFFFFEC00  }
0x78: {  	_ =	sfence.sel $0x180000  }
0x79: {  	[bflag:$0x0] =	sbarrier.arrive $0xFFFF  }
0x7a: {  	p0 =	sne.s32 s0, $0x0;
	_ =	strace $0x9000004A  }
0x7b: {  	s0 =	sadd.s32 @!p0 $0x100000, s1;
	[bflag:$0x2] =	sbarrier.arrive $0xFFFF  }
0x7c: {  	[sflag:s0] =	ssyncadd.tile.s32 @!p0 $0x1;
	_ =	shalt  }
.Lfunc_end2:
_tile_overlayer_lowered:
.L_overlay_start_2:
0x7d: {  	(tag) =	ssettag $0x2  }
0x7e: {  	s0 =	rddreg [dreg:$0x0];
	s2 =	stileid.u32  }
0x7f: {  	s1 =	rddreg [dreg:$0x1];
	p0 =	sne.s32 s2, $0x0  }
0x80: {  	s3 =	rddreg [dreg:$0x2];
	[bflag:$0x3] =	sbarrier.arrive $0xFFFF;
	s2 =	simm.s32 @!p0 $0x1C04  }
0x81: {  	[timem:s3], [sflag:s2] =	dma.local @!p0 [hbm:s0], s1  }
0x82: {  	s0 =	simm.s32 @!p0 $0x4  }
0x83: {  	_ =	swait.ge @!p0 [sflag:s0], s1  }
0x84: {  	s1 =	ssub.s32 @!p0 $0x0, s1;
	[sflag:s0] =	ssyncset.done @!p0 $0x0  }
0x85: {  	[sflag:s0] =	ssyncadd.s32 @!p0 s1  }
0x86: {  	[bflag:$0x3] =	sbarrier.arrive $0xFFFF  }
0x87: {  	_ =	shalt  }

// kernel: kernel.14.cloned.1.call-start
scs
__scs_entry_jumppad:
0x0: {  	(pc) =	sbr.rel $0x88, $3  }
0x1: {  	(tag) =	ssettag $0x0;
	lr =	simm.s32 $0x1  }
0x2: {  	[smem:$0x3F9B] =	sst lr;
	_ =	strace $0xD0000000  }
0x3: {  	_ = 	snop  }
0x4: {  	_ = 	snop  }
0x5: {  	_ = 	snop  }
0x6: {  	_ = 	snop  }
0x7: {  	_ = 	snop  }
__scs_overlays_trampoline_lowered:
0x8: {  	[smem:$0x3FAA] =	sst s0  }
0x9: {  	[smem:$0x3FAB] =	sst s1  }
0xa: {  	[smem:$0x3FAC] =	sst s2  }
0xb: {  	[smem:$0x3FAD] =	sst s3  }
0xc: {  	[smem:$0x3FAE] =	sst s4  }
0xd: {  	[smem:$0x3FAF] =	sst s5  }
0xe: {  	[smem:$0x3FB0] =	sst s6  }
0xf: {  	[smem:$0x3FB1] =	sst s7  }
0x10: {  	[smem:$0x3FB2] =	sst s8  }
0x11: {  	[smem:$0x3FB3] =	sst s9;
	s0 =	simm.s32 @!p0 $0x0  }
0x12: {  	s1 =	sld [smem:$0x3F99];
	s0 =	simm.s32 @p0 $0x1  }
0x13: {  	[smem:$0x3FB4] =	sst s0;
	s0 =	simm.s32 @!p1 $0x0  }
0x14: {  	s2 =	sld [smem:$0x3F98];
	s0 =	simm.s32 @p1 $0x1  }
0x15: {  	[smem:$0x3FB5] =	sst s0;
	s0 =	simm.s32 @!p2 $0x0  }
0x16: {  	s3 =	sld [smem:$0x3FDB];
	s0 =	simm.s32 @p2 $0x1  }
0x17: {  	s4 =	simm.s32 $0x1BF5;
	[smem:$0x3FB7] =	sst s0  }
0x18: {  	s0 =	sld [smem:$0x3F9A];
	_ =	swait.ge [sflag:s4], $0x0  }
0x19: {  	s7 =	sld [smem:$0x3F9B]  }
0x1a: {  	s8 =	sadd.s32 $0xFFFFE003, lr  }
0x1b: {  	s9 =	sadd.s32 $0xFFFFFEF7, lr;
	s5 =	simm.s32 $0xFFFFFFFF;
	p2 =	slt.u32 s8, $0xFFFFF086  }
0x1c: {  	p1 =	slt.u32 s9, $0xF7A;
	s5 =	simm.s32 @!p2 $0x0  }
0x1d: {  	s5 =	simm.s32 @p1 $0x1;
	p0 =	seq.s32 s7, s2  }
0x1e: {  	s7 =	smul.u32 @!p0 $0xF7A, s2;
	p2 =	seq.s32 @!p0 s5, $0x0  }
0x1f: {  	s9 =	smul.u32 $0xF7A, s1;
	s8 =	simm.s32 @!p0 $0x1BF5;
	p2 =	por !p2, p0  }
0x20: {  	[sflag:s8] =	ssyncset.s32 @!p0 $0xFFFFF086;
	s6 =	sadd.s32 @!p0 s3, s7;
	s7 =	simm.s32 @!p0 $0x108  }
0x21: {  	s3 =	sadd.s32 s3, s9;
	s6 =	sadd.s32 @!p0 $0x88, s6;
	s7 =	simm.s32 @p2 $0x1082  }
0x22: {  	[simem:s7], [sflag:s8] =	dma.local @!p0 [hbm:s6], $0xF7A  }
0x23: {  	s9 =	sor.u32 $0xD0000000, s2;
	s6 =	simm.s32 $0x108;
	_ =	swait.ge @!p0 [sflag:s8], $0x0  }
0x24: {  	s3 =	sadd.s32 $0x88, s3;
	s6 =	simm.s32 @!p1 $0x1082;
	[sflag:s4] =	ssyncset.s32 $0xFFFFF086  }
0x25: {  	[simem:s6], [sflag:s4] =	dma.local [hbm:s3], $0xF7A  }
0x26: {  	[smem:$0x3F9B] =	sst s1;
	(tag) =	ssettag s2;
	_ =	strace s9  }
0x27: {  	s1 =	sld [smem:$0x3FAB]  }
0x28: {  	s2 =	sld [smem:$0x3FAC]  }
0x29: {  	s4 =	sld [smem:$0x3FAE]  }
0x2a: {  	p0 =	seq.s32 s5, $0x0;
	s5 =	sld [smem:$0x3FAF]  }
0x2b: {  	s6 =	sld [smem:$0x3FB0]  }
0x2c: {  	s7 =	sld [smem:$0x3FB1]  }
0x2d: {  	s3 =	simm.s32 $0x108;
	s8 =	sld [smem:$0x3FB2]  }
0x2e: {  	s3 =	simm.s32 @!p0 $0x1082;
	s9 =	sld [smem:$0x3FB3]  }
0x2f: {  	lr =	sadd.s32 s0, s3;
	s0 =	sld [smem:$0x3FAA]  }
0x30: {  	s3 =	sld [smem:$0x3FAD]  }
0x31: {  	[smem:$0x3FB6] =	sst s10  }
0x32: {  	s10 =	sld [smem:$0x3FB4];
	_ =	sdelay $0x3  }
0x33: {  	p0 =	seq.s32 s10, $0x1;
	s10 =	sld [smem:$0x3FB6];
	_ =	sdelay $0x3  }
0x34: {  	[smem:$0x3FB6] =	sst s10  }
0x35: {  	s10 =	sld [smem:$0x3FB5];
	_ =	sdelay $0x3  }
0x36: {  	p1 =	seq.s32 s10, $0x1;
	s10 =	sld [smem:$0x3FB6];
	_ =	sdelay $0x3  }
0x37: {  	[smem:$0x3FB6] =	sst s10  }
0x38: {  	s10 =	sld [smem:$0x3FB7]  }
0x39: {  	_ = 	snop;
	(pc) =	sbr.ind lr, $3  }
0x3a: {  	_ = 	snop  }
0x3b: {  	_ = 	snop  }
0x3c: {  	p2 =	seq.s32 s10, $0x1;
	s10 =	sld [smem:$0x3FB6]  }
0x3d: {  	_ =	shalt  }
0x3e: {  	_ =	shalt  }
0x3f: {  	_ =	shalt  }
0x40: {  	_ =	shalt  }
0x41: {  	_ =	shalt  }
0x42: {  	_ =	shalt  }
0x43: {  	_ =	shalt  }
0x44: {  	_ =	shalt  }
0x45: {  	_ =	shalt  }
0x46: {  	_ =	shalt  }
0x47: {  	_ =	shalt  }
0x48: {  	_ =	shalt  }
0x49: {  	_ =	shalt  }
0x4a: {  	_ =	shalt  }
0x4b: {  	_ =	shalt  }
0x4c: {  	_ =	shalt  }
0x4d: {  	_ =	shalt  }
0x4e: {  	_ =	shalt  }
0x4f: {  	_ =	shalt  }
0x50: {  	_ =	shalt  }
0x51: {  	_ =	shalt  }
0x52: {  	_ =	shalt  }
0x53: {  	_ =	shalt  }
0x54: {  	_ =	shalt  }
0x55: {  	_ =	shalt  }
0x56: {  	_ =	shalt  }
0x57: {  	_ =	shalt  }
0x58: {  	_ =	shalt  }
0x59: {  	_ =	shalt  }
0x5a: {  	_ =	shalt  }
0x5b: {  	_ =	shalt  }
0x5c: {  	_ =	shalt  }
0x5d: {  	_ =	shalt  }
0x5e: {  	_ =	shalt  }
0x5f: {  	_ =	shalt  }
0x60: {  	_ =	shalt  }
0x61: {  	_ =	shalt  }
0x62: {  	_ =	shalt  }
0x63: {  	_ =	shalt  }
0x64: {  	_ =	shalt  }
0x65: {  	_ =	shalt  }
0x66: {  	_ =	shalt  }
0x67: {  	_ =	shalt  }
0x68: {  	_ =	shalt  }
0x69: {  	_ =	shalt  }
0x6a: {  	_ =	shalt  }
0x6b: {  	_ =	shalt  }
0x6c: {  	_ =	shalt  }
0x6d: {  	_ =	shalt  }
0x6e: {  	_ =	shalt  }
0x6f: {  	_ =	shalt  }
0x70: {  	_ =	shalt  }
0x71: {  	_ =	shalt  }
0x72: {  	_ =	shalt  }
0x73: {  	_ =	shalt  }
0x74: {  	_ =	shalt  }
0x75: {  	_ =	shalt  }
0x76: {  	_ =	shalt  }
0x77: {  	_ =	shalt  }
0x78: {  	_ =	shalt  }
0x79: {  	_ =	shalt  }
0x7a: {  	_ =	shalt  }
0x7b: {  	_ =	shalt  }
0x7c: {  	_ =	shalt  }
0x7d: {  	_ =	shalt  }
0x7e: {  	_ =	shalt  }
0x7f: {  	_ =	shalt  }
0x80: {  	_ =	shalt  }
0x81: {  	_ =	shalt  }
0x82: {  	_ =	shalt  }
0x83: {  	_ =	shalt  }
0x84: {  	_ =	shalt  }
0x85: {  	_ =	shalt  }
0x86: {  	_ =	shalt  }
0x87: {  	_ =	shalt  }
.Lfunc_end0:
.L_simem_size_0:
called_computation.2_lowered:
.L_overlay_start_0:
0x88: {  	s2 =	sld [smem:$0x3FD9]  }
0x89: {  	s3 =	sld [smem:$0x3FFE];
	_ =	sdelay $0x1  }
0x8a: {  	s1 =	srdreg.scid  }
0x8b: {  	s0 =	sand.u32 $0x1, s1  }
0x8c: {  	s16 =	sshll.u32 s0, $0xA;
	s2 =	sadd.s32 s3, s2  }
0x8d: {  	s2 =	sadd.s32 s2, s16  }
0x8e: {  	[smem:$0x3FC2] =	sst s2  }
0x8f: {  	_ = 	snop  }
0x90: {  	(tm) =	ssettm $0x1  }
0x91: {  	s17 =	sld [smem:$0x3FFB];
	_ =	sdelay $0x3  }
0x92: {  	_ =	strace s17  }
0x93: {  	s2 =	sld [smem:$0x3FFC];
	_ =	sdelay $0x3  }
0x94: {  	_ =	strace s2  }
0x95: {  	s2 =	sld [smem:$0x3FFD];
	_ =	sdelay $0x3  }
0x96: {  	_ =	strace s2  }
0x97: {  	_ =	strace $0x8FFFFFFF  }
0x98: {  	s18 =	sld [smem:$0x3FDB];
	_ =	sdelay $0x1  }
0x99: {  	s19 =	simm.s32 $_scs_section_size  }
0x9a: {  	s4 =	simm.s32 $_size__tile_overlayer_lowered;
	s5 =	simm.s32 $_tile_overlayer_lowered  }
0x9b: {  	s22 =	simm.s32 $0x1BFF;
	s21 =	sshll.u32 s5, $0x1;
	s2 =	sadd.s32 s19, s18  }
0x9c: {  	s6 =	simm.s32 $0x0;
	s20 =	sshll.u32 s4, $0x1;
	s4 =	sadd.s32 s21, s2  }
0x9d: {  	[timem:s6], [sflag:s22] =	dma.local [hbm:s4], s20  }
0x9e: {  	_ =	swait.ge [sflag:s22], s20  }
0x9f: {  	s3 =	ssub.s32 $0x0, s20;
	[sflag:s22] =	ssyncset.done $0x0  }
0xa0: {  	[sflag:s22] =	ssyncadd.s32 s3;
	_ =	sdelay $0x1  }
0xa1: {  	s23 =	simm.s32 $0x1B8B  }
0xa2: {  	_ =	swait.ge [sflag:s23], $0x1  }
0xa3: {  	[sflag:s23] =	ssyncset.done $0x0  }
0xa4: {  	s25 =	simm.s32 $0x1B8E;
	s24 =	sld [smem:$0x3FFE];
	[sflag:s23] =	ssyncadd.s32 $0xFFFFFFFF  }
0xa5: {  	s26 =	simm.s32 $execute0_lowered;
	[smem:$0x3FD2] =	sst s25  }
0xa6: {  	s4 =	sshll.u32 s26, $0x1;
	_ =	strace $0x8000004C;
	[dreg:$0x1] =	wrdreg $0xFFFFFFFF  }
0xa7: {  	s28 =	simm.s32 $_size_execute0_lowered;
	s2 =	sadd.s32 s2, s4;
	[dreg:$0x0] =	wrdreg $0x0  }
0xa8: {  	s4 =	sshll.u32 s28, $0x1;
	[dreg:$0x2] =	wrdreg s2  }
0xa9: {  	[dreg:$0x3] =	wrdreg s4  }
0xaa: {  	[dreg:$0x4] =	wrdreg $0xC0  }
0xab: {  	_ =	task [dreg:s6], $0x5FFFF  }
0xac: {  	[dreg:$0x1] =	wrdreg $0xFFFFFFFF  }
0xad: {  	[dreg:$0x0] =	wrdreg $0x60  }
0xae: {  	[dreg:$0x2] =	wrdreg s24  }
0xaf: {  	[dreg:$0x3] =	wrdreg $0x97000  }
0xb0: {  	[dreg:$0x4] =	wrdreg $0x9  }
0xb1: {  	_ =	task.clear_ibuf [dreg:s6], $0x5FFFF;
	_ =	strace $0x9000004C  }
0xb2: {  	s29 =	simm.s32 $0x9;
	_ =	strace $0x8000004E  }
0xb3: {  	_ =	swait.ge [sflag:s29], $0x1  }
0xb4: {  	[sflag:s29] =	ssyncadd.s32 $0xFFFFFFFF  }
0xb5: {  	_ =	strace $0x9000004E  }
0xb6: {  	_ =	sfence  }
0xb7: {  	s30 =	sld [smem:$0x0];
	_ =	sdelay $0x2  }
0xb8: {  	s31 =	sshll.u32 s1, $0xD;
	s1 =	sshrl.u32 s1, $0x2  }
0xb9: {  	s3 =	sand.u32 $0x4000, s31;
	s1 =	sadd.s32 s1, s30  }
0xba: {  	s0 =	sor.u32 s3, s0;
	s1 =	sshll.u32 s1, $0x11  }
0xbb: {  	s0 =	sor.u32 s1, s0  }
0xbc: {  	s0 =	sadd.s32 $0x8F2B, s0  }
0xbd: {  	[sflag:s0] =	ssyncadd.remote.s32 $0x1  }
0xbe: {  	_ =	sfence.sel $0xFFFF  }
0xbf: {  	[dreg:$0x0] =	wrdreg $0xFFFFFFFF;
	(pc) =	sbr.abs _section_cstart, $3  }
0xc0: {  	[dreg:$0x1] =	wrdreg $0xFFFFFFFF  }
0xc1: {  	_ =	task.clear_ibuf [dreg:s6], $0x2FFFF;
	_ =	strace $0x9FFFFFFF  }
0xc2: {  	(tm) =	ssettm $0x7FFFFFFF  }
0xc3: {  	_ =	shalt  }
tec
execute0_lowered:
.L_overlay_start_1:
0x0: {  	(tag) =	ssettag $0x1  }
0x1: {  	s1 =	srdreg.scid  }
0x2: {  	s0 =	stileid.u32;
	s5 =	rddreg [dreg:$0x0]  }
0x3: {  	s2 =	rddreg [dreg:$0x1];
	s3 =	simm.s32 $0x0;
	s14 =	simm.s32 $0x2780  }
0x4: {  	s15 =	simm.s32 $0x7F00;
	s16 =	simm.s32 $0x4;
	s17 =	simm.s32 $0x3  }
0x5: {  	s18 =	simm.s32 $0x80;
	s19 =	simm.s32 $0x4F00;
	s20 =	simm.s32 $0x6700  }
0x6: {  	s21 =	simm.s32 $0x1;
	s22 =	simm.s32 $0x2;
	s23 =	simm.s32 $0x4E80  }
0x7: {  	s25 =	simm.s32 $0x0;
	s4 =	sand.u32 $0x1, s1;
	s9 =	smul.u32 $0x7800, s0  }
0x8: {  	s29 =	sshll.u32 s0, $0x1;
	[smem:$0x7FF] =	sst s3;
	s10 =	smul.u32 $0x1E000, s0  }
0x9: {  	s1 =	sor.u32 s4, s29;
	s7 =	smul.u32 $0x78000, s4;
	_ =	strace $0x8000004D  }
0xa: {  	s8 =	ssub.s32 $0x2, s4;
	s4 =	sadd.s32 $0x14C00, s5;
	s6 =	smul.u32 $0x4F0, s1  }
0xb: {  	s30 =	sshrl.u32 s8, $0x1;
	s31 =	sshrl.u32 s10, $0x2;
	s24 =	sadd.s32 s9, s2  }
0xc: {  	s7 =	sadd.s32 s9, s7;
	s11 =	ssub.s32 s8, s30;
	s8 =	sadd.s32 s31, s2  }
0xd: {  	s24 =	sshrl.u32 s24, $0x3;
	s6 =	sadd.s32 s6, s5;
	s7 =	sshrl.u32 s7, $0x3  }
0xe: {  	s9 =	smax.u32 s11, $0x1;
	s10 =	sadd.s32 $0x1800, s8;
	s11 =	sadd.s32 $0x3000, s8  }
0xf: {  	s12 =	sadd.s32 $0x4800, s8;
	s13 =	sadd.s32 $0x6000, s8;
	s7 =	sadd.s32 s7, s5  }
0x10: {  	v0 =	vimm.f32 $0.0e+00;
	s5 =	sadd.s32 $0xAE00, s6;
	s6 =	sadd.s32 $0x1000, s6;
	s7 =	sadd.s32 $0x23C00, s7  }
.LBB2_1:
0x11: {  	[tilespmem:s3], [sflag:$0x3] =	stream.linear.gather [hbm4b:s5+s3], $0x2780, $0x38;
	[tilespmem:$0x10F00] =	vst v63  }
0x12: {  	s26 =	smul.u32 $0xAAAB, s3  }
0x13: {  	[tilespmem:s14], [sflag:$0x3] =	stream.linear.gather [hbm4b:s6+s3], $0x2780, $0x38;
	[tilespmem:$0x10F00] =	vst v63  }
0x14: {  	s28 =	sshrl.u32 s26, $0x11  }
0x15: {  	s29 =	simm.s32 $0x0;
	s26 =	simm.s32 $0x1;
	s30 =	smul.u32 $0x3, s28  }
.LBB2_2:
0x16: {  	s31 =	smul.u32 $0xAAAB, s26  }
0x17: {  	s1 =	smov.u32 s26;
	s28 =	smul.u32 $0xC0, s28;
	p0 =	sne.s32 s26, $0x17F  }
.Ltmp0:
0x18: {  	s29 =	ssub.s32 s29, s30;
	(pc) =	sbr.rel @p0 .LBB2_2-.Ltmp0, $4  }
0x19: {  	s26 =	sadd.s32 $0x1, s26;
	s29 =	sand.u32 $0xFFFF, s29  }
0x1a: {  	s30 =	sshrl.u32 s28, $0x2;
	s0 =	sshll.u32 s29, $0x4;
	s29 =	smov.u32 s1  }
0x1b: {  	s28 =	sshrl.u32 s31, $0x11;
	s0 =	sadd.s32 s0, s30  }
0x1c: {  	s30 =	smul.u32 $0x3, s28;
	[tilespmem:s0+$0x7F00] =	vst v0  }
0x1d: {  	_ = 	snop  }
0x1e: {  	s1 =	smul.u32 $0xC0, s28;
	s0 =	ssub.s32 s29, s30  }
0x1f: {  	s0 =	sand.u32 $0xFFFF, s0  }
0x20: {  	s1 =	sshrl.u32 s1, $0x2;
	s0 =	sshll.u32 s0, $0x4  }
0x21: {  	s0 =	sadd.s32 s0, s1  }
0x22: {  	[tilespmem:s0+$0x7F00] =	vst v0  }
0x23: {  	[spmem:s8] =	stream.linear.scatter [tilespmem:s15], [sflag:$0x4], $0x1800, $0x38;
	[tilespmem:$0x10F00] =	vst v63  }
0x24: {  	_ =	swait.ge [sflag:s16], $0x1800  }
0x25: {  	[sflag:s16] =	ssyncset.done $0x0  }
0x26: {  	[sflag:s16] =	ssyncadd.s32 $0xFFFFE800  }
0x27: {  	[spmem:s10] =	stream.linear.scatter [tilespmem:s15], [sflag:$0x4], $0x1800, $0x38;
	[tilespmem:$0x10F00] =	vst v63  }
0x28: {  	_ =	swait.ge [sflag:s16], $0x1800  }
0x29: {  	[sflag:s16] =	ssyncset.done $0x0  }
0x2a: {  	[sflag:s16] =	ssyncadd.s32 $0xFFFFE800  }
0x2b: {  	[spmem:s11] =	stream.linear.scatter [tilespmem:s15], [sflag:$0x4], $0x1800, $0x38;
	[tilespmem:$0x10F00] =	vst v63  }
0x2c: {  	_ =	swait.ge [sflag:s16], $0x1800  }
0x2d: {  	[sflag:s16] =	ssyncset.done $0x0  }
0x2e: {  	[sflag:s16] =	ssyncadd.s32 $0xFFFFE800  }
0x2f: {  	[spmem:s12] =	stream.linear.scatter [tilespmem:s15], [sflag:$0x4], $0x1800, $0x38;
	[tilespmem:$0x10F00] =	vst v63  }
0x30: {  	_ =	swait.ge [sflag:s16], $0x1800  }
0x31: {  	[sflag:s16] =	ssyncset.done $0x0  }
0x32: {  	[sflag:s16] =	ssyncadd.s32 $0xFFFFE800  }
0x33: {  	[spmem:s13] =	stream.linear.scatter [tilespmem:s15], [sflag:$0x4], $0x1800, $0x38;
	[tilespmem:$0x10F00] =	vst v63  }
0x34: {  	_ =	swait.ge [sflag:s16], $0x1800  }
0x35: {  	[sflag:s16] =	ssyncset.done $0x0  }
0x36: {  	[sflag:s16] =	ssyncadd.s32 $0xFFFFE800  }
0x37: {  	_ =	swait.ge [sflag:s17], $0x2780  }
0x38: {  	[sflag:s17] =	ssyncset.done $0x0  }
0x39: {  	[sflag:s17] =	ssyncadd.s32 $0xFFFFD880  }
0x3a: {  	_ =	swait.ge [sflag:s17], $0x2780  }
0x3b: {  	[sflag:s17] =	ssyncset.done $0x0  }
0x3c: {  	[sflag:s17] =	ssyncadd.s32 $0xFFFFD880  }
0x3d: {  	s1 =	simm.s32 $0x0;
	[bflag:$0x0] =	sbarrier.arrive $0xFFFF  }
0x3e: {  	[tilespmem:s19], [sflag:$0x1] =	stream.indirect.gather [hbm4b:s4+s18], $0x30, s1, s18, $0xb8;
	[tilespmem:$0x10F00] =	vst v63  }
0x3f: {  	s26 =	simm.s32 $0x80  }
0x40: {  	[tilespmem:s20], [sflag:$0x2] =	stream.indirect.gather [hbm4b:s4+s18], $0x30, s26, s18, $0xb8;
	[tilespmem:$0x10F00] =	vst v63  }
0x41: {  	_ =	swait.ge [sflag:s21], $0x1800  }
0x42: {  	[sflag:s21] =	ssyncset.done $0x0  }
0x43: {  	s29 =	simm.s32 $0x2780;
	[sflag:s21] =	ssyncadd.s32 $0xFFFFE800  }
0x44: {  	[spmem:s2] =	stream.indirect.scatter.add.f32 [tilespmem:s19], [sflag:$0x4], $0x30, s29, s18, $0xb8;
	[tilespmem:$0x10F00] =	vst v63  }
0x45: {  	_ =	swait.ge [sflag:s16], $0x1800  }
0x46: {  	[sflag:s16] =	ssyncset.done $0x0  }
0x47: {  	s30 =	simm.s32 $0x100;
	[sflag:s16] =	ssyncadd.s32 $0xFFFFE800  }
0x48: {  	[tilespmem:s19], [sflag:$0x1] =	stream.indirect.gather [hbm4b:s4+s18], $0x30, s30, s18, $0xb8;
	[tilespmem:$0x10F00] =	vst v63  }
0x49: {  	_ =	swait.ge [sflag:s22], $0x1800  }
0x4a: {  	[sflag:s22] =	ssyncset.done $0x0  }
0x4b: {  	s31 =	simm.s32 $0x2800;
	[sflag:s22] =	ssyncadd.s32 $0xFFFFE800  }
0x4c: {  	[spmem:s2] =	stream.indirect.scatter.add.f32 [tilespmem:s20], [sflag:$0x4], $0x30, s31, s18, $0xb8;
	[tilespmem:$0x10F00] =	vst v63  }
0x4d: {  	_ =	swait.ge [sflag:s16], $0x1800  }
0x4e: {  	s28 =	simm.s32 $0x800;
	s26 =	simm.s32 $0x100;
	[sflag:s16] =	ssyncset.done $0x0  }
.LBB2_4:
0x4f: {  	s0 =	sadd.s32 $0x80, s26  }
0x50: {  	[sflag:s16] =	ssyncadd.s32 $0xFFFFE800;
	s1 =	smov.u32 s28;
	s29 =	sadd.s32 $0x400, s28  }
0x51: {  	[tilespmem:s20], [sflag:$0x2] =	stream.indirect.gather [hbm4b:s4+s18], $0x30, s0, s18, $0xb8;
	[tilespmem:$0x10F00] =	vst v63  }
0x52: {  	p0 =	sne.s32 s28, $0x9800;
	_ =	swait.ge [sflag:s21], $0x1800  }
0x53: {  	[sflag:s21] =	ssyncset.done $0x0  }
0x54: {  	s0 =	sadd.s32 $0x2780, s26;
	[sflag:s21] =	ssyncadd.s32 $0xFFFFE800  }
0x55: {  	[spmem:s2] =	stream.indirect.scatter.add.f32 [tilespmem:s19], [sflag:$0x4], $0x30, s0, s18, $0xb8;
	[tilespmem:$0x10F00] =	vst v63  }
0x56: {  	_ =	swait.ge [sflag:s16], $0x1800  }
0x57: {  	[sflag:s16] =	ssyncset.done $0x0  }
0x58: {  	s0 =	sadd.s32 $0x100, s26;
	[sflag:s16] =	ssyncadd.s32 $0xFFFFE800  }
0x59: {  	[tilespmem:s19], [sflag:$0x1] =	stream.indirect.gather [hbm4b:s4+s18], $0x30, s0, s18, $0xb8;
	[tilespmem:$0x10F00] =	vst v63  }
0x5a: {  	_ =	swait.ge [sflag:s22], $0x1800  }
.Ltmp1:
0x5b: {  	[sflag:s22] =	ssyncset.done $0x0;
	(pc) =	sbr.rel @p0 .LBB2_4-.Ltmp1, $4  }
0x5c: {  	s0 =	sadd.s32 $0x2800, s26;
	[sflag:s22] =	ssyncadd.s32 $0xFFFFE800  }
0x5d: {  	[spmem:s2] =	stream.indirect.scatter.add.f32 [tilespmem:s20], [sflag:$0x4], $0x30, s0, s18, $0xb8;
	[tilespmem:$0x10F00] =	vst v63  }
0x5e: {  	_ =	swait.ge [sflag:s16], $0x1800  }
0x5f: {  	s28 =	smov.u32 s29;
	s26 =	sshra.s32 s1, $0x2;
	[sflag:s16] =	ssyncset.done $0x0  }
0x60: {  	s0 =	sadd.s32 $0x80, s26;
	[sflag:s16] =	ssyncadd.s32 $0xFFFFE800  }
0x61: {  	[tilespmem:s20], [sflag:$0x2] =	stream.indirect.gather [hbm4b:s4+s18], $0x30, s0, s18, $0xb8;
	[tilespmem:$0x10F00] =	vst v63  }
0x62: {  	_ =	swait.ge [sflag:s21], $0x1800  }
0x63: {  	[sflag:s21] =	ssyncset.done $0x0  }
0x64: {  	s28 =	sadd.s32 $0x2780, s26;
	[sflag:s21] =	ssyncadd.s32 $0xFFFFE800  }
0x65: {  	[spmem:s2] =	stream.indirect.scatter.add.f32 [tilespmem:s19], [sflag:$0x4], $0x30, s28, s18, $0xb8;
	[tilespmem:$0x10F00] =	vst v63  }
0x66: {  	_ =	swait.ge [sflag:s16], $0x1800  }
0x67: {  	[sflag:s16] =	ssyncset.done $0x0  }
0x68: {  	s29 =	sadd.s32 $0x100, s26;
	[sflag:s16] =	ssyncadd.s32 $0xFFFFE800  }
0x69: {  	[tilespmem:s19], [sflag:$0x1] =	stream.indirect.gather [hbm4b:s4+s18], $0x30, s29, s18, $0xb8;
	[tilespmem:$0x10F00] =	vst v63  }
0x6a: {  	_ =	swait.ge [sflag:s22], $0x1800  }
0x6b: {  	[sflag:s22] =	ssyncset.done $0x0  }
0x6c: {  	s30 =	sadd.s32 $0x2800, s26;
	[sflag:s22] =	ssyncadd.s32 $0xFFFFE800  }
0x6d: {  	[spmem:s2] =	stream.indirect.scatter.add.f32 [tilespmem:s20], [sflag:$0x4], $0x30, s30, s18, $0xb8;
	[tilespmem:$0x10F00] =	vst v63  }
0x6e: {  	_ =	swait.ge [sflag:s16], $0x1800  }
0x6f: {  	[sflag:s16] =	ssyncset.done $0x0  }
0x70: {  	[sflag:s16] =	ssyncadd.s32 $0xFFFFE800  }
0x71: {  	_ =	swait.ge [sflag:s21], $0x1800  }
0x72: {  	[sflag:s21] =	ssyncset.done $0x0  }
0x73: {  	[sflag:s21] =	ssyncadd.s32 $0xFFFFE800  }
0x74: {  	[spmem:s2] =	stream.indirect.scatter.add.f32 [tilespmem:s19], [sflag:$0x4], $0x30, s23, s18, $0xb8;
	[tilespmem:$0x10F00] =	vst v63  }
0x75: {  	_ =	swait.ge [sflag:s16], $0x1800  }
0x76: {  	s31 =	stileid.u32;
	s25 =	sadd.s32 $0x1, s25;
	[sflag:s16] =	ssyncset.done $0x0  }
0x77: {  	s0 =	sshll.u32 s31, $0x6;
	p0 =	sne.s32 s25, s9;
	[sflag:s16] =	ssyncadd.s32 $0xFFFFE800  }
.Ltmp2:
0x78: {  	s0 =	sor.u32 $0x1C04, s0;
	[bflag:$0x0] =	sbarrier.arrive $0xFFFF;
	(pc) =	sbr.rel @p0 .LBB2_1-.Ltmp2, $4  }
0x79: {  	[hbm:s7], [sflag:s0] =	dma.local [spmem:s24], $0xF00  }
0x7a: {  	_ =	swait.ge [sflag:s16], $0xF00  }
0x7b: {  	[sflag:s16] =	ssyncset.done $0x0  }
0x7c: {  	[sflag:s16] =	ssyncadd.s32 $0xFFFFF100  }
0x7d: {  	_ =	sfence.sel $0x180000  }
0x7e: {  	[bflag:$0x0] =	sbarrier.arrive $0xFFFF  }
0x7f: {  	_ =	strace $0x9000004D  }
0x80: {  	s0 =	stileid.u32;
	[bflag:$0x2] =	sbarrier.arrive $0xFFFF  }
0x81: {  	p0 =	sne.s32 s0, $0x0;
	s0 =	rddreg [dreg:$0x2]  }
0x82: {  	s0 =	sadd.s32 @!p0 $0x100000, s0  }
0x83: {  	[sflag:s0] =	ssyncadd.tile.s32 @!p0 $0x1;
	_ =	shalt  }
.Lfunc_end2:
_tile_overlayer_lowered:
.L_overlay_start_2:
0x84: {  	(tag) =	ssettag $0x2  }
0x85: {  	s0 =	rddreg [dreg:$0x0];
	s2 =	stileid.u32  }
0x86: {  	s1 =	rddreg [dreg:$0x1];
	p0 =	sne.s32 s2, $0x0  }
0x87: {  	s3 =	rddreg [dreg:$0x2];
	[bflag:$0x3] =	sbarrier.arrive $0xFFFF;
	s2 =	simm.s32 @!p0 $0x1C04  }
0x88: {  	[timem:s3], [sflag:s2] =	dma.local @!p0 [hbm:s0], s1  }
0x89: {  	s0 =	simm.s32 @!p0 $0x4  }
0x8a: {  	_ =	swait.ge @!p0 [sflag:s0], s1  }
0x8b: {  	s1 =	ssub.s32 @!p0 $0x0, s1;
	[sflag:s0] =	ssyncset.done @!p0 $0x0  }
0x8c: {  	[sflag:s0] =	ssyncadd.s32 @!p0 s1  }
0x8d: {  	[bflag:$0x3] =	sbarrier.arrive $0xFFFF  }
0x8e: {  	_ =	shalt  }

// kernel: kernel.8.cloned.1.call-start
scs
__scs_entry_jumppad:
0x0: {  	(pc) =	sbr.rel $0x88, $3  }
0x1: {  	(tag) =	ssettag $0x0;
	lr =	simm.s32 $0x1  }
0x2: {  	[smem:$0x3F9B] =	sst lr;
	_ =	strace $0xD0000000  }
0x3: {  	_ = 	snop  }
0x4: {  	_ = 	snop  }
0x5: {  	_ = 	snop  }
0x6: {  	_ = 	snop  }
0x7: {  	_ = 	snop  }
__scs_overlays_trampoline_lowered:
0x8: {  	[smem:$0x3FAA] =	sst s0  }
0x9: {  	[smem:$0x3FAB] =	sst s1  }
0xa: {  	[smem:$0x3FAC] =	sst s2  }
0xb: {  	[smem:$0x3FAD] =	sst s3  }
0xc: {  	[smem:$0x3FAE] =	sst s4  }
0xd: {  	[smem:$0x3FAF] =	sst s5  }
0xe: {  	[smem:$0x3FB0] =	sst s6  }
0xf: {  	[smem:$0x3FB1] =	sst s7  }
0x10: {  	[smem:$0x3FB2] =	sst s8  }
0x11: {  	[smem:$0x3FB3] =	sst s9;
	s0 =	simm.s32 @!p0 $0x0  }
0x12: {  	s1 =	sld [smem:$0x3F99];
	s0 =	simm.s32 @p0 $0x1  }
0x13: {  	[smem:$0x3FB4] =	sst s0;
	s0 =	simm.s32 @!p1 $0x0  }
0x14: {  	s2 =	sld [smem:$0x3F98];
	s0 =	simm.s32 @p1 $0x1  }
0x15: {  	[smem:$0x3FB5] =	sst s0;
	s0 =	simm.s32 @!p2 $0x0  }
0x16: {  	s3 =	sld [smem:$0x3FDB];
	s0 =	simm.s32 @p2 $0x1  }
0x17: {  	s4 =	simm.s32 $0x1BF5;
	[smem:$0x3FB7] =	sst s0  }
0x18: {  	s0 =	sld [smem:$0x3F9A];
	_ =	swait.ge [sflag:s4], $0x0  }
0x19: {  	s7 =	sld [smem:$0x3F9B]  }
0x1a: {  	s8 =	sadd.s32 $0xFFFFE003, lr  }
0x1b: {  	s9 =	sadd.s32 $0xFFFFFEF7, lr;
	s5 =	simm.s32 $0xFFFFFFFF;
	p2 =	slt.u32 s8, $0xFFFFF086  }
0x1c: {  	p1 =	slt.u32 s9, $0xF7A;
	s5 =	simm.s32 @!p2 $0x0  }
0x1d: {  	s5 =	simm.s32 @p1 $0x1;
	p0 =	seq.s32 s7, s2  }
0x1e: {  	s7 =	smul.u32 @!p0 $0xF7A, s2;
	p2 =	seq.s32 @!p0 s5, $0x0  }
0x1f: {  	s9 =	smul.u32 $0xF7A, s1;
	s8 =	simm.s32 @!p0 $0x1BF5;
	p2 =	por !p2, p0  }
0x20: {  	[sflag:s8] =	ssyncset.s32 @!p0 $0xFFFFF086;
	s6 =	sadd.s32 @!p0 s3, s7;
	s7 =	simm.s32 @!p0 $0x108  }
0x21: {  	s3 =	sadd.s32 s3, s9;
	s6 =	sadd.s32 @!p0 $0x88, s6;
	s7 =	simm.s32 @p2 $0x1082  }
0x22: {  	[simem:s7], [sflag:s8] =	dma.local @!p0 [hbm:s6], $0xF7A  }
0x23: {  	s9 =	sor.u32 $0xD0000000, s2;
	s6 =	simm.s32 $0x108;
	_ =	swait.ge @!p0 [sflag:s8], $0x0  }
0x24: {  	s3 =	sadd.s32 $0x88, s3;
	s6 =	simm.s32 @!p1 $0x1082;
	[sflag:s4] =	ssyncset.s32 $0xFFFFF086  }
0x25: {  	[simem:s6], [sflag:s4] =	dma.local [hbm:s3], $0xF7A  }
0x26: {  	[smem:$0x3F9B] =	sst s1;
	(tag) =	ssettag s2;
	_ =	strace s9  }
0x27: {  	s1 =	sld [smem:$0x3FAB]  }
0x28: {  	s2 =	sld [smem:$0x3FAC]  }
0x29: {  	s4 =	sld [smem:$0x3FAE]  }
0x2a: {  	p0 =	seq.s32 s5, $0x0;
	s5 =	sld [smem:$0x3FAF]  }
0x2b: {  	s6 =	sld [smem:$0x3FB0]  }
0x2c: {  	s7 =	sld [smem:$0x3FB1]  }
0x2d: {  	s3 =	simm.s32 $0x108;
	s8 =	sld [smem:$0x3FB2]  }
0x2e: {  	s3 =	simm.s32 @!p0 $0x1082;
	s9 =	sld [smem:$0x3FB3]  }
0x2f: {  	lr =	sadd.s32 s0, s3;
	s0 =	sld [smem:$0x3FAA]  }
0x30: {  	s3 =	sld [smem:$0x3FAD]  }
0x31: {  	[smem:$0x3FB6] =	sst s10  }
0x32: {  	s10 =	sld [smem:$0x3FB4];
	_ =	sdelay $0x3  }
0x33: {  	p0 =	seq.s32 s10, $0x1;
	s10 =	sld [smem:$0x3FB6];
	_ =	sdelay $0x3  }
0x34: {  	[smem:$0x3FB6] =	sst s10  }
0x35: {  	s10 =	sld [smem:$0x3FB5];
	_ =	sdelay $0x3  }
0x36: {  	p1 =	seq.s32 s10, $0x1;
	s10 =	sld [smem:$0x3FB6];
	_ =	sdelay $0x3  }
0x37: {  	[smem:$0x3FB6] =	sst s10  }
0x38: {  	s10 =	sld [smem:$0x3FB7]  }
0x39: {  	_ = 	snop;
	(pc) =	sbr.ind lr, $3  }
0x3a: {  	_ = 	snop  }
0x3b: {  	_ = 	snop  }
0x3c: {  	p2 =	seq.s32 s10, $0x1;
	s10 =	sld [smem:$0x3FB6]  }
0x3d: {  	_ =	shalt  }
0x3e: {  	_ =	shalt  }
0x3f: {  	_ =	shalt  }
0x40: {  	_ =	shalt  }
0x41: {  	_ =	shalt  }
0x42: {  	_ =	shalt  }
0x43: {  	_ =	shalt  }
0x44: {  	_ =	shalt  }
0x45: {  	_ =	shalt  }
0x46: {  	_ =	shalt  }
0x47: {  	_ =	shalt  }
0x48: {  	_ =	shalt  }
0x49: {  	_ =	shalt  }
0x4a: {  	_ =	shalt  }
0x4b: {  	_ =	shalt  }
0x4c: {  	_ =	shalt  }
0x4d: {  	_ =	shalt  }
0x4e: {  	_ =	shalt  }
0x4f: {  	_ =	shalt  }
0x50: {  	_ =	shalt  }
0x51: {  	_ =	shalt  }
0x52: {  	_ =	shalt  }
0x53: {  	_ =	shalt  }
0x54: {  	_ =	shalt  }
0x55: {  	_ =	shalt  }
0x56: {  	_ =	shalt  }
0x57: {  	_ =	shalt  }
0x58: {  	_ =	shalt  }
0x59: {  	_ =	shalt  }
0x5a: {  	_ =	shalt  }
0x5b: {  	_ =	shalt  }
0x5c: {  	_ =	shalt  }
0x5d: {  	_ =	shalt  }
0x5e: {  	_ =	shalt  }
0x5f: {  	_ =	shalt  }
0x60: {  	_ =	shalt  }
0x61: {  	_ =	shalt  }
0x62: {  	_ =	shalt  }
0x63: {  	_ =	shalt  }
0x64: {  	_ =	shalt  }
0x65: {  	_ =	shalt  }
0x66: {  	_ =	shalt  }
0x67: {  	_ =	shalt  }
0x68: {  	_ =	shalt  }
0x69: {  	_ =	shalt  }
0x6a: {  	_ =	shalt  }
0x6b: {  	_ =	shalt  }
0x6c: {  	_ =	shalt  }
0x6d: {  	_ =	shalt  }
0x6e: {  	_ =	shalt  }
0x6f: {  	_ =	shalt  }
0x70: {  	_ =	shalt  }
0x71: {  	_ =	shalt  }
0x72: {  	_ =	shalt  }
0x73: {  	_ =	shalt  }
0x74: {  	_ =	shalt  }
0x75: {  	_ =	shalt  }
0x76: {  	_ =	shalt  }
0x77: {  	_ =	shalt  }
0x78: {  	_ =	shalt  }
0x79: {  	_ =	shalt  }
0x7a: {  	_ =	shalt  }
0x7b: {  	_ =	shalt  }
0x7c: {  	_ =	shalt  }
0x7d: {  	_ =	shalt  }
0x7e: {  	_ =	shalt  }
0x7f: {  	_ =	shalt  }
0x80: {  	_ =	shalt  }
0x81: {  	_ =	shalt  }
0x82: {  	_ =	shalt  }
0x83: {  	_ =	shalt  }
0x84: {  	_ =	shalt  }
0x85: {  	_ =	shalt  }
0x86: {  	_ =	shalt  }
0x87: {  	_ =	shalt  }
.Lfunc_end0:
.L_simem_size_0:
called_computation_lowered:
.L_overlay_start_0:
0x88: {  	s2 =	sld [smem:$0x3FD9]  }
0x89: {  	s3 =	sld [smem:$0x3FFE];
	_ =	sdelay $0x1  }
0x8a: {  	s1 =	srdreg.scid  }
0x8b: {  	s0 =	sand.u32 $0x1, s1  }
0x8c: {  	s17 =	sshll.u32 s0, $0xA;
	s2 =	sadd.s32 s3, s2  }
0x8d: {  	s2 =	sadd.s32 s2, s17  }
0x8e: {  	[smem:$0x3FC2] =	sst s2  }
0x8f: {  	_ = 	snop  }
0x90: {  	s2 =	sld [smem:$0x3FD0];
	(tm) =	ssettm $0x1  }
0x91: {  	s18 =	sld [smem:$0x3FFB];
	_ =	sdelay $0x3  }
0x92: {  	_ =	strace s18  }
0x93: {  	s3 =	sld [smem:$0x3FFC];
	_ =	sdelay $0x3  }
0x94: {  	_ =	strace s3  }
0x95: {  	s3 =	sld [smem:$0x3FFD];
	_ =	sdelay $0x3  }
0x96: {  	_ =	strace s3  }
0x97: {  	_ =	strace $0x8FFFFFFF  }
0x98: {  	s19 =	sld [smem:$0x3FDB];
	_ =	sdelay $0x1  }
0x99: {  	s4 =	simm.s32 $_scs_section_size  }
0x9a: {  	s5 =	simm.s32 $_size__tile_overlayer_lowered;
	s6 =	simm.s32 $_tile_overlayer_lowered  }
0x9b: {  	s22 =	simm.s32 $0x1BFF;
	s21 =	sshll.u32 s6, $0x1;
	s3 =	sadd.s32 s4, s19  }
0x9c: {  	s7 =	simm.s32 $0x0;
	s20 =	sshll.u32 s5, $0x1;
	s5 =	sadd.s32 s21, s3  }
0x9d: {  	[timem:s7], [sflag:s22] =	dma.local [hbm:s5], s20  }
0x9e: {  	_ =	swait.ge [sflag:s22], s20  }
0x9f: {  	s4 =	ssub.s32 $0x0, s20;
	[sflag:s22] =	ssyncset.done $0x0  }
0xa0: {  	[sflag:s22] =	ssyncadd.s32 s4;
	_ =	sdelay $0x1  }
0xa1: {  	s23 =	simm.s32 $0x1B8B  }
0xa2: {  	_ =	swait.ge [sflag:s23], $0x1  }
0xa3: {  	[sflag:s23] =	ssyncset.done $0x0  }
0xa4: {  	s25 =	simm.s32 $0x1B8E;
	s24 =	sld [smem:$0x3FFE];
	[sflag:s23] =	ssyncadd.s32 $0xFFFFFFFF  }
0xa5: {  	s26 =	simm.s32 $execute0_lowered;
	[smem:$0x3FD2] =	sst s25  }
0xa6: {  	s5 =	sshll.u32 s26, $0x1;
	_ =	strace $0x80000046;
	[dreg:$0x1] =	wrdreg $0xFFFFFFFF  }
0xa7: {  	s28 =	simm.s32 $_size_execute0_lowered;
	s3 =	sadd.s32 s3, s5;
	[dreg:$0x0] =	wrdreg $0x0  }
0xa8: {  	s5 =	sshll.u32 s28, $0x1;
	[dreg:$0x2] =	wrdreg s3  }
0xa9: {  	[dreg:$0x3] =	wrdreg s5  }
0xaa: {  	[dreg:$0x4] =	wrdreg $0xC0  }
0xab: {  	_ =	task [dreg:s7], $0x5FFFF  }
0xac: {  	[dreg:$0x1] =	wrdreg $0xFFFFFFFF  }
0xad: {  	[dreg:$0x0] =	wrdreg $0x60  }
0xae: {  	[dreg:$0x2] =	wrdreg s24  }
0xaf: {  	[dreg:$0x3] =	wrdreg s2  }
0xb0: {  	[dreg:$0x4] =	wrdreg $0x9  }
0xb1: {  	_ =	task.clear_ibuf [dreg:s7], $0x5FFFF;
	_ =	strace $0x90000046  }
0xb2: {  	s29 =	simm.s32 $0x9;
	_ =	strace $0x80000048  }
0xb3: {  	_ =	swait.ge [sflag:s29], $0x1  }
0xb4: {  	[sflag:s29] =	ssyncadd.s32 $0xFFFFFFFF  }
0xb5: {  	_ =	strace $0x90000048  }
0xb6: {  	_ =	sfence  }
0xb7: {  	s30 =	sld [smem:$0x0];
	_ =	sdelay $0x2  }
0xb8: {  	s31 =	sshll.u32 s1, $0xD;
	s1 =	sshrl.u32 s1, $0x2  }
0xb9: {  	s3 =	sand.u32 $0x4000, s31;
	s1 =	sadd.s32 s1, s30  }
0xba: {  	s0 =	sor.u32 s3, s0;
	s1 =	sshll.u32 s1, $0x11  }
0xbb: {  	s0 =	sor.u32 s1, s0  }
0xbc: {  	s0 =	sadd.s32 $0x8F2B, s0  }
0xbd: {  	[sflag:s0] =	ssyncadd.remote.s32 $0x1  }
0xbe: {  	_ =	sfence.sel $0xFFFF  }
0xbf: {  	[dreg:$0x0] =	wrdreg $0xFFFFFFFF;
	(pc) =	sbr.abs _section_cstart, $3  }
0xc0: {  	[dreg:$0x1] =	wrdreg $0xFFFFFFFF  }
0xc1: {  	_ =	task.clear_ibuf [dreg:s7], $0x2FFFF;
	_ =	strace $0x9FFFFFFF  }
0xc2: {  	(tm) =	ssettm $0x7FFFFFFF  }
0xc3: {  	_ =	shalt  }
tec
execute0_lowered:
.L_overlay_start_1:
0x0: {  	(tag) =	ssettag $0x1  }
0x1: {  	s3 =	rddreg [dreg:$0x0]  }
0x2: {  	s1 =	srdreg.scid;
	s0 =	stileid.u32  }
0x3: {  	s4 =	rddreg [dreg:$0x1];
	s5 =	sand.u32 $0x1, s1;
	s2 =	sshll.u32 s0, $0x1  }
0x4: {  	s1 =	rddreg [dreg:$0x2];
	s6 =	sor.u32 s5, s2  }
0x5: {  	s2 =	simm.s32 $0x0;
	s5 =	ssub.s32 $0x2, s5;
	s7 =	smul.u32 $0x4F0, s6  }
0x6: {  	[smem:$0x7FF] =	sst s2;
	s8 =	sshrl.u32 s5, $0x1;
	s6 =	smul.u32 $0x500, s6  }
0x7: {  	_ =	strace $0x80000047;
	s5 =	ssub.s32 s5, s8;
	s8 =	simm.s32 $0x0  }
0x8: {  	s3 =	sadd.s32 s7, s3;
	s4 =	sadd.s32 s4, s6;
	s5 =	smax.u32 s5, $0x1  }
0x9: {  	v0 =	vimm.f32 $0.0e+00;
	v1 =	vimm.f32 $1.000000000e+00;
	s6 =	simm.s32 $0x1;
	s7 =	simm.s32 $0x2780;
	s3 =	sadd.s32 $0x1000, s3  }
.LBB2_1:
0xa: {  	s9 =	simm.s32 $0x40;
	s10 =	simm.s32 $0x0  }
.LBB2_2:
0xb: {  	p0 =	sne.s32 s9, $0x9FC0;
	[tilespmem:s10+$0x2780] =	vst v0;
	s10 =	smov.u32 s9;
	s9 =	sadd.s32 $0x40, s9  }
.Ltmp0:
0xc: {  	(pc) =	sbr.rel @p0 .LBB2_2-.Ltmp0, $2  }
0xd: {  	_ =	sdelay $0x2  }
0xe: {  	s10 =	sshra.s32 s10, $0x2  }
0xf: {  	[tilespmem:s10+$0x2780] =	vst v0;
	s9 =	simm.s32 $0x0  }
0x10: {  	[tilespmem:s9], [sflag:$0x1] =	stream.linear.gather [hbm4b:s3+s9], $0x2780, $0x38;
	[tilespmem:$0x4F80] =	vst v63  }
0x11: {  	_ =	swait.ge [sflag:s6], $0x2780  }
0x12: {  	[sflag:s6] =	ssyncset.done $0x0  }
0x13: {  	s10 =	simm.s32 $0x0;
	s9 =	simm.s32 $0x40;
	[sflag:s6] =	ssyncadd.s32 $0xFFFFD880  }
.LBB2_4:
0x14: {  	p0 =	sne.s32 s9, $0x9DC0;
	v2 =	vld [tilespmem:s10+$0x0];
	_ =	sdelay $0x3  }
.Ltmp1:
0x15: {  	(pc) =	sbr.rel @p0 .LBB2_4-.Ltmp1, $2  }
0x16: {  	_ =	sdelay $0x2  }
0x17: {  	s10 =	sshra.s32 s9, $0x2;
	s9 =	sadd.s32 $0x40, s9;
	[tilespmem:v2+s7+$0x0] =	vst.idx.add.f32.msk $0xffff, v1  }
0x18: {  	v2 =	vld [tilespmem:s10+$0x0];
	_ =	sdelay $0x5  }
0x19: {  	s8 =	sadd.s32 $0x1, s8  }
0x1a: {  	p0 =	sne.s32 s8, s5  }
.Ltmp2:
0x1b: {  	[tilespmem:v2+s7+$0x0] =	vst.idx.add.f32.msk $0xffff, v1;
	(pc) =	sbr.rel @p0 .LBB2_1-.Ltmp2, $4  }
0x1c: {  	[hbm4b:s4+s2] =	stream.linear.scatter [tilespmem:s7], [sflag:$0x1], $0x2800, $0x38;
	[tilespmem:$0x4F80] =	vst v63  }
0x1d: {  	_ =	swait.ge [sflag:s6], $0x2800  }
0x1e: {  	[sflag:s6] =	ssyncset.done $0x0  }
0x1f: {  	[sflag:s6] =	ssyncadd.s32 $0xFFFFD800  }
0x20: {  	_ =	sfence.sel $0x180000  }
0x21: {  	[bflag:$0x0] =	sbarrier.arrive $0xFFFF  }
0x22: {  	p0 =	sne.s32 s0, $0x0;
	_ =	strace $0x90000047  }
0x23: {  	s0 =	sadd.s32 @!p0 $0x100000, s1;
	[bflag:$0x2] =	sbarrier.arrive $0xFFFF  }
0x24: {  	[sflag:s0] =	ssyncadd.tile.s32 @!p0 $0x1;
	_ =	shalt  }
.Lfunc_end2:
_tile_overlayer_lowered:
.L_overlay_start_2:
0x25: {  	(tag) =	ssettag $0x2  }
0x26: {  	s0 =	rddreg [dreg:$0x0];
	s2 =	stileid.u32  }
0x27: {  	s1 =	rddreg [dreg:$0x1];
	p0 =	sne.s32 s2, $0x0  }
0x28: {  	s3 =	rddreg [dreg:$0x2];
	[bflag:$0x3] =	sbarrier.arrive $0xFFFF;
	s2 =	simm.s32 @!p0 $0x1C01  }
0x29: {  	[timem:s3], [sflag:s2] =	dma.local @!p0 [hbm:s0], s1  }
0x2a: {  	s0 =	simm.s32 @!p0 $0x1  }
0x2b: {  	_ =	swait.ge @!p0 [sflag:s0], s1  }
0x2c: {  	s1 =	ssub.s32 @!p0 $0x0, s1;
	[sflag:s0] =	ssyncset.done @!p0 $0x0  }
0x2d: {  	[sflag:s0] =	ssyncadd.s32 @!p0 s1  }
0x2e: {  	[bflag:$0x3] =	sbarrier.arrive $0xFFFF  }
0x2f: {  	_ =	shalt  }

</sc_bundles>
